<compile_context>
chip_gen: v7x
topology: tpu7x:2x2x1
jax: 0.10.2.dev20260603
libtpu: 0.0.44.dev20260713+nightly
codegen_flags: <defaults>
</compile_context>

<pallas_src>
import jax
import jax.numpy as jnp
from jax.experimental import pallas as pl

_NUM_CLASSES = 21
_HW = 7
_P = _HW * _HW
_F = 56
_BETA = 1.0 / 9.0


def _detect_head_kernel(x_ref, w9_ref, b_ref, wh_ref, bh_ref, lab_ref, tgt_ref,
                        emb_ref, cls_ref, bbox_ref, clsl_ref, regl_ref):
    nb = x_ref.shape[0]
    x = x_ref[...]
    xt = jnp.transpose(x, (0, 2, 1))
    xt = jnp.pad(xt, ((0, 0), (0, _F - _P), (0, 0)))
    x2 = xt.reshape(nb * _F, 256)

    r_iota = jax.lax.broadcasted_iota(jnp.int32, (nb * _F, 1), 0)
    p = r_iota % _F
    colp = p % _HW
    x_p = jnp.where(colp == 0, jnp.bfloat16(0), x2)
    x_m = jnp.where(colp == _HW - 1, jnp.bfloat16(0), x2)

    shifted = []
    for t in range(9):
        dy = t // 3 - 1
        dx = t % 3 - 1
        s = dy * _HW + dx
        src = x_p if dx == 1 else (x_m if dx == -1 else x2)
        shifted.append(jnp.roll(src, -s, axis=0) if s else src)

    nh = nb // 2
    rows = nh * _F
    pr = jax.lax.broadcasted_iota(jnp.int32, (nh, rows), 1)
    pn = jax.lax.broadcasted_iota(jnp.int32, (nh, rows), 0)
    pool = jnp.where((pr // _F == pn) & (pr % _F < _P), 1.0 / _P, 0.0)

    feats = []
    for h in range(2):
        lo = h * rows
        x9 = jnp.concatenate([s[lo:lo + rows, :] for s in shifted], axis=1)
        acc = jax.lax.dot_general(
            x9, w9_ref[...], (((1,), (0,)), ((), ())),
            preferred_element_type=jnp.float32)
        acc = acc + b_ref[0, :][None, :]
        emb2 = jnp.maximum(acc, 0.0)
        for k in range(nh):
            n = h * nh + k
            smp = emb2[k * _F:k * _F + _P, :]
            c = jnp.concatenate(
                [smp[:, 128 * e:128 * (e + 1)] for e in range(8)], axis=0)
            emb_ref[n, :, :] = jnp.transpose(c, (1, 0))
        feats.append(jax.lax.dot_general(
            pool, emb2, (((1,), (0,)), ((), ())),
            preferred_element_type=jnp.float32))
    feat = jnp.concatenate(feats, axis=0)

    scores = jax.lax.dot_general(
        feat, wh_ref[...], (((1,), (0,)), ((), ())),
        preferred_element_type=jnp.float32) + bh_ref[0, :][None, :]
    cls = scores[:, :_NUM_CLASSES]
    bbox = scores[:, _NUM_CLASSES:]
    cls_ref[0] = cls
    bbox_ref[0] = bbox

    lab = lab_ref[0, 0, :]
    m = jnp.max(cls, axis=1, keepdims=True)
    lse = jnp.log(jnp.sum(jnp.exp(cls - m), axis=1, keepdims=True)) + m
    c_iota = jax.lax.broadcasted_iota(jnp.int32, (nb, _NUM_CLASSES), 1)
    sel = jnp.sum(jnp.where(c_iota == lab[:, None], cls, 0.0), axis=1,
                  keepdims=True)
    cls_part = jnp.sum(lse - sel).reshape(1, 1)

    k_iota = jax.lax.broadcasted_iota(jnp.int32, (nb, 4 * _NUM_CLASSES), 1)
    cls_of_k = k_iota // 4
    posm = (lab > 0).astype(jnp.float32)
    reg_part = jnp.zeros((), jnp.float32)
    for j in range(4):
        mask = (cls_of_k == lab[:, None]) & (k_iota % 4 == j)
        pred_j = jnp.sum(jnp.where(mask, bbox, 0.0), axis=1)
        d = pred_j - tgt_ref[0, :, j]
        ad = jnp.abs(d)
        l1 = jnp.where(ad < _BETA, 0.5 * d * d / _BETA, ad - 0.5 * _BETA)
        reg_part = reg_part + jnp.sum(l1 * posm)
    reg_part = reg_part.reshape(1, 1)

    i = pl.program_id(0)

    @pl.when(i == 0)
    def _():
        clsl_ref[...] = cls_part
        regl_ref[...] = reg_part

    @pl.when(i != 0)
    def _():
        clsl_ref[...] = clsl_ref[...] + cls_part
        regl_ref[...] = regl_ref[...] + reg_part


def kernel(instance_features, labels, reg_targets, proposals,
           W_conv, b_conv, W_down, b_down, W_cls, b_cls, W_reg, b_reg):
    del proposals
    n = instance_features.shape[0]
    nb = 20
    grid = n // nb

    x = instance_features.reshape(n, 256, _P).astype(jnp.bfloat16)
    wt = jnp.transpose(W_conv, (2, 3, 1, 0)).reshape(9, 256, 1024)
    wd = jnp.transpose(W_down[:, :, 0, 0], (1, 0))[None]
    w9 = jnp.concatenate([wt[:4], wt[4:5] + wd, wt[5:]], axis=0)
    w9 = w9.reshape(9 * 256, 128, 8)
    w9 = jnp.transpose(w9, (0, 2, 1)).reshape(9 * 256, 1024)
    w9 = w9.astype(jnp.bfloat16)
    b_sum = (b_conv + b_down).reshape(128, 8)
    b_sum = jnp.transpose(b_sum, (1, 0)).reshape(1, 1024)
    w_head = jnp.concatenate([W_cls.T, W_reg.T], axis=1)
    w_head = w_head.reshape(128, 8, -1)
    w_head = jnp.transpose(w_head, (1, 0, 2)).reshape(1024, -1)
    b_head = jnp.concatenate([b_cls, b_reg]).reshape(1, -1)
    lab3 = labels.astype(jnp.int32).reshape(grid, 1, nb)
    tgt3 = reg_targets.reshape(grid, nb, 4)

    out_shapes = (
        jax.ShapeDtypeStruct((n, 128, 8 * _P), jnp.float32),
        jax.ShapeDtypeStruct((grid, nb, _NUM_CLASSES), jnp.float32),
        jax.ShapeDtypeStruct((grid, nb, 4 * _NUM_CLASSES), jnp.float32),
        jax.ShapeDtypeStruct((1, 1), jnp.float32),
        jax.ShapeDtypeStruct((1, 1), jnp.float32),
    )
    emb, cls_scores, bbox_reg, cls_sum, reg_sum = pl.pallas_call(
        _detect_head_kernel,
        grid=(grid,),
        in_specs=[
            pl.BlockSpec((nb, 256, _P), lambda i: (i, 0, 0)),
            pl.BlockSpec((9 * 256, 1024), lambda i: (0, 0)),
            pl.BlockSpec((1, 1024), lambda i: (0, 0)),
            pl.BlockSpec((1024, 5 * _NUM_CLASSES), lambda i: (0, 0)),
            pl.BlockSpec((1, 5 * _NUM_CLASSES), lambda i: (0, 0)),
            pl.BlockSpec((1, 1, nb), lambda i: (i, 0, 0)),
            pl.BlockSpec((1, nb, 4), lambda i: (i, 0, 0)),
        ],
        out_specs=(
            pl.BlockSpec((nb, 128, 8 * _P), lambda i: (i, 0, 0)),
            pl.BlockSpec((1, nb, _NUM_CLASSES), lambda i: (i, 0, 0)),
            pl.BlockSpec((1, nb, 4 * _NUM_CLASSES), lambda i: (i, 0, 0)),
            pl.BlockSpec((1, 1), lambda i: (0, 0)),
            pl.BlockSpec((1, 1), lambda i: (0, 0)),
        ),
        out_shape=out_shapes,
    )(x, w9, b_sum, w_head, b_head, lab3, tgt3)

    embedded = emb.reshape(n, 1024, _HW, _HW)
    cls_scores = cls_scores.reshape(n, _NUM_CLASSES)
    bbox_reg = bbox_reg.reshape(n, 4 * _NUM_CLASSES)
    cls_loss = cls_sum[0, 0] / n
    reg_loss = reg_sum[0, 0] / n
    return (embedded, cls_scores, bbox_reg, cls_loss, reg_loss)

# --- scband reference (transcript-rebuilt; emitter-appended) ---
"""Pipeline reference for scband-detect-head-66400194396314 (READ-ONLY COPY).

The authoritative reference and input builder live on the scoring server;
editing this copy changes nothing except your own understanding.
"""

import jax, jax.numpy as jnp
import numpy as np

NUM_CLASSES = 21  # cfg.num_classes


def _conv(x, w, b, pad):
    y = jax.lax.conv_general_dilated(
        x, w, window_strides=(1, 1), padding=((pad, pad), (pad, pad)),
        dimension_numbers=('NCHW', 'OIHW', 'NCHW'))
    return y + b[None, :, None, None]


def setup_inputs(seed: int = 0) -> dict:
    key = jax.random.key(seed)
    ks = jax.random.split(key, 12)
    N, C, H, W = 5000, 256, 7, 7
    inp = {}
    inp['instance_features'] = jax.random.normal(ks[0], (N, C, H, W), dtype=jnp.float32)
    inp['labels'] = jax.random.randint(ks[1], (N,), 0, NUM_CLASSES).astype(jnp.int64)
    inp['reg_targets'] = jax.random.normal(ks[2], (N, 4), dtype=jnp.float32)
    inp['proposals'] = jax.random.uniform(ks[3], (N, 4), dtype=jnp.float32)
    # Residual_Basic params: 3x3 conv 256->1024 + 1x1 downsample conv 256->1024
    inp['W_conv'] = jax.random.normal(ks[4], (1024, 256, 3, 3), dtype=jnp.float32) * 0.02
    inp['b_conv'] = jnp.zeros((1024,), dtype=jnp.float32)
    inp['W_down'] = jax.random.normal(ks[5], (1024, 256, 1, 1), dtype=jnp.float32) * 0.02
    inp['b_down'] = jnp.zeros((1024,), dtype=jnp.float32)
    inp['W_cls'] = jax.random.normal(ks[6], (NUM_CLASSES, 1024), dtype=jnp.float32) * 0.02
    inp['b_cls'] = jnp.zeros((NUM_CLASSES,), dtype=jnp.float32)
    inp['W_reg'] = jax.random.normal(ks[7], (NUM_CLASSES * 4, 1024), dtype=jnp.float32) * 0.02
    inp['b_reg'] = jnp.zeros((NUM_CLASSES * 4,), dtype=jnp.float32)
    return inp


def reference(instance_features, labels, reg_targets, proposals,
              W_conv, b_conv, W_down, b_down, W_cls, b_cls, W_reg, b_reg):
    # Residual_Basic: main 3x3 conv + 1x1 downsample shortcut, relu
    main = _conv(instance_features, W_conv, b_conv, pad=1)
    short = _conv(instance_features, W_down, b_down, pad=0)
    embedded = jax.nn.relu(main + short)
    # AdaptiveAvgPool2d(1) + Flatten
    feat = jnp.mean(embedded, axis=(2, 3))  # [N, 1024]
    cls_scores = feat @ W_cls.T + b_cls           # [N, NUM_CLASSES]
    bbox_reg = feat @ W_reg.T + b_reg             # [N, NUM_CLASSES*4]
    # compute_loss (training path)
    logsm = jax.nn.log_softmax(cls_scores, axis=-1)
    cls_loss = -jnp.mean(jnp.take_along_axis(logsm, labels[:, None].astype(jnp.int32), axis=1))
    N = cls_scores.shape[0]
    bbox = bbox_reg.reshape(N, NUM_CLASSES, 4)
    pred_pos = jnp.take_along_axis(
        bbox, jnp.broadcast_to(labels[:, None, None].astype(jnp.int32), (N, 1, 4)), axis=1
    )[:, 0, :]  # [N, 4] box for each row's label class
    beta = 1.0 / 9.0
    d = pred_pos - reg_targets
    ad = jnp.abs(d)
    l1 = jnp.where(ad < beta, 0.5 * d * d / beta, ad - 0.5 * beta)
    pos_mask = (labels > 0).astype(jnp.float32)
    reg_loss = jnp.sum(l1 * pos_mask[:, None]) / N
    return (embedded, cls_scores, bbox_reg, cls_loss, reg_loss)

if __name__ == "__main__":
    import jax
    _d = setup_inputs()
    print(jax.jit(kernel)(*tuple(_d.values())))

</pallas_src>

<mosaic_0001>
module attributes {stable_mosaic.version = 14 : i64} {
  func.func @_detect_head_kernel(%arg0: i32, %arg1: memref<20x256x49xbf16, #tpu.memory_space<vmem>>, %arg2: memref<2304x1024xbf16, #tpu.memory_space<vmem>>, %arg3: memref<1x1024xf32, #tpu.memory_space<vmem>>, %arg4: memref<1024x105xf32, #tpu.memory_space<vmem>>, %arg5: memref<1x105xf32, #tpu.memory_space<vmem>>, %arg6: memref<1x1x20xi32, #tpu.memory_space<vmem>>, %arg7: memref<1x20x4xf32, #tpu.memory_space<vmem>>, %arg8: memref<20x128x392xf32, #tpu.memory_space<vmem>>, %arg9: memref<1x20x21xf32, #tpu.memory_space<vmem>>, %arg10: memref<1x20x84xf32, #tpu.memory_space<vmem>>, %arg11: memref<1x1xf32, #tpu.memory_space<vmem>>, %arg12: memref<1x1xf32, #tpu.memory_space<vmem>>) attributes {dimension_semantics = [#tpu.dimension_semantics<arbitrary>], iteration_bounds = array<i64: 250>, scalar_prefetch = 0 : i64, scratch_operands = 0 : i64, tpu.core_type = #tpu.core_type<tc>, window_params = [{transform_indices = @transform_0, window_bounds = array<i64: 20, 256, 49>}, {pipeline_mode = #tpu.pipeline_mode<synchronous>, transform_indices = @transform_1, window_bounds = array<i64: 2304, 1024>}, {pipeline_mode = #tpu.pipeline_mode<synchronous>, transform_indices = @transform_2, window_bounds = array<i64: 1, 1024>}, {pipeline_mode = #tpu.pipeline_mode<synchronous>, transform_indices = @transform_3, window_bounds = array<i64: 1024, 105>}, {pipeline_mode = #tpu.pipeline_mode<synchronous>, transform_indices = @transform_4, window_bounds = array<i64: 1, 105>}, {transform_indices = @transform_5, window_bounds = array<i64: 1, 1, 20>}, {transform_indices = @transform_6, window_bounds = array<i64: 1, 20, 4>}, {transform_indices = @transform_7, window_bounds = array<i64: 20, 128, 392>}, {transform_indices = @transform_8, window_bounds = array<i64: 1, 20, 21>}, {transform_indices = @transform_9, window_bounds = array<i64: 1, 20, 84>}, {pipeline_mode = #tpu.pipeline_mode<synchronous>, transform_indices = @transform_10, window_bounds = array<i64: 1, 1>}, {pipeline_mode = #tpu.pipeline_mode<synchronous>, transform_indices = @transform_11, window_bounds = array<i64: 1, 1>}]} {
    %get3A = arith.constant 0 : index
    %get3A_0 = arith.constant 0 : index
    %get3A_1 = arith.constant 0 : index
    %get3A_2 = vector.load %arg1[%get3A, %get3A_0, %get3A_1] : memref<20x256x49xbf16, #tpu.memory_space<vmem>>, vector<20x256x49xbf16>
    %transpose3A = tpu.transpose %get3A_2, [0, 2, 1] : vector<20x256x49xbf16> -> vector<20x49x256xbf16>
    %jit3A = arith.constant 0 : i32
    %convert_element_type3A = arith.sitofp %jit3A : i32 to bf16
    %pad3A = vector.broadcast %convert_element_type3A : bf16 to vector<20x7x256xbf16>
    %pad3A_3 = tpu.concatenate %transpose3A, %pad3A in 1 : vector<20x49x256xbf16>, vector<20x7x256xbf16> -> vector<20x56x256xbf16>
    %reshape3A = vector.shape_cast %pad3A_3 : vector<20x56x256xbf16> to vector<1120x256xbf16>
    %iota3A = tpu.iota {dimensions = array<i32: 0>} : vector<1120x1xi32>
    %jit3A_4 = arith.constant 56 : i32
    %eq3A = arith.constant 0 : i32
    %eq3A_5 = arith.cmpi eq, %jit3A_4, %eq3A : i32
    %jit3A_6 = arith.constant 1 : i32
    %select_n3A = arith.select %eq3A_5, %jit3A_6, %jit3A_4 : i32
    %rem3A = vector.broadcast %select_n3A : i32 to vector<1120x1xi32>
    %rem3A_7 = arith.remsi %iota3A, %rem3A : vector<1120x1xi32>
    %ne3A = arith.constant 0 : i32
    %ne3A_8 = vector.broadcast %ne3A : i32 to vector<1120x1xi32>
    %ne3A_9 = arith.cmpi ne, %rem3A_7, %ne3A_8 : vector<1120x1xi32>
    %lt3A = arith.constant 0 : i32
    %lt3A_10 = vector.broadcast %lt3A : i32 to vector<1120x1xi32>
    %lt3A_11 = arith.cmpi slt, %rem3A_7, %lt3A_10 : vector<1120x1xi32>
    %lt3A_12 = arith.constant 0 : i32
    %lt3A_13 = arith.cmpi slt, %select_n3A, %lt3A_12 : i32
    %ne3A_14 = vector.broadcast %lt3A_13 : i1 to vector<1120x1xi1>
    %ne3A_15 = vector.broadcast %ne3A_14 : vector<1120x1xi1> to vector<1120x1xi1>
    %ne3A_16 = arith.xori %lt3A_11, %ne3A_15 : vector<1120x1xi1>
    %and3A = arith.andi %ne3A_16, %ne3A_9 : vector<1120x1xi1>
    %add3A = vector.broadcast %select_n3A : i32 to vector<1120x1xi32>
    %add3A_17 = arith.addi %rem3A_7, %add3A : vector<1120x1xi32>
    %select_n3A_18 = arith.select %and3A, %add3A_17, %rem3A_7 : vector<1120x1xi1>, vector<1120x1xi32>
    %jit3A_19 = arith.constant 7 : i32
    %eq3A_20 = arith.constant 0 : i32
    %eq3A_21 = arith.cmpi eq, %jit3A_19, %eq3A_20 : i32
    %jit3A_22 = arith.constant 1 : i32
    %select_n3A_23 = arith.select %eq3A_21, %jit3A_22, %jit3A_19 : i32
    %rem3A_24 = vector.broadcast %select_n3A_23 : i32 to vector<1120x1xi32>
    %rem3A_25 = arith.remsi %select_n3A_18, %rem3A_24 : vector<1120x1xi32>
    %ne3A_26 = arith.constant 0 : i32
    %ne3A_27 = vector.broadcast %ne3A_26 : i32 to vector<1120x1xi32>
    %ne3A_28 = arith.cmpi ne, %rem3A_25, %ne3A_27 : vector<1120x1xi32>
    %lt3A_29 = arith.constant 0 : i32
    %lt3A_30 = vector.broadcast %lt3A_29 : i32 to vector<1120x1xi32>
    %lt3A_31 = arith.cmpi slt, %rem3A_25, %lt3A_30 : vector<1120x1xi32>
    %lt3A_32 = arith.constant 0 : i32
    %lt3A_33 = arith.cmpi slt, %select_n3A_23, %lt3A_32 : i32
    %ne3A_34 = vector.broadcast %lt3A_33 : i1 to vector<1120x1xi1>
    %ne3A_35 = vector.broadcast %ne3A_34 : vector<1120x1xi1> to vector<1120x1xi1>
    %ne3A_36 = arith.xori %lt3A_31, %ne3A_35 : vector<1120x1xi1>
    %and3A_37 = arith.andi %ne3A_36, %ne3A_28 : vector<1120x1xi1>
    %add3A_38 = vector.broadcast %select_n3A_23 : i32 to vector<1120x1xi32>
    %add3A_39 = arith.addi %rem3A_25, %add3A_38 : vector<1120x1xi32>
    %select_n3A_40 = arith.select %and3A_37, %add3A_39, %rem3A_25 : vector<1120x1xi1>, vector<1120x1xi32>
    %eq3A_41 = arith.constant 0 : i32
    %eq3A_42 = vector.broadcast %eq3A_41 : i32 to vector<1120x1xi32>
    %eq3A_43 = arith.cmpi eq, %select_n3A_40, %eq3A_42 : vector<1120x1xi32>
    %jit3A_44 = arith.constant 0.000000e+00 : bf16
    %broadcast_in_dim3A = vector.shape_cast %eq3A_43 : vector<1120x1xi1> to vector<1120x1xi1>
    %broadcast_in_dim3A_45 = vector.broadcast %broadcast_in_dim3A : vector<1120x1xi1> to vector<1120x256xi1>
    %broadcast_in_dim3A_46 = vector.broadcast %jit3A_44 : bf16 to vector<1120x256xbf16>
    %select_n3A_47 = arith.select %broadcast_in_dim3A_45, %broadcast_in_dim3A_46, %reshape3A : vector<1120x256xi1>, vector<1120x256xbf16>
    %eq3A_48 = arith.constant 6 : i32
    %eq3A_49 = vector.broadcast %eq3A_48 : i32 to vector<1120x1xi32>
    %eq3A_50 = arith.cmpi eq, %select_n3A_40, %eq3A_49 : vector<1120x1xi32>
    %jit3A_51 = arith.constant 0.000000e+00 : bf16
    %broadcast_in_dim3A_52 = vector.shape_cast %eq3A_50 : vector<1120x1xi1> to vector<1120x1xi1>
    %broadcast_in_dim3A_53 = vector.broadcast %broadcast_in_dim3A_52 : vector<1120x1xi1> to vector<1120x256xi1>
    %broadcast_in_dim3A_54 = vector.broadcast %jit3A_51 : bf16 to vector<1120x256xbf16>
    %select_n3A_55 = arith.select %broadcast_in_dim3A_53, %broadcast_in_dim3A_54, %reshape3A : vector<1120x256xi1>, vector<1120x256xbf16>
    %slice3A = vector.extract_strided_slice %select_n3A_55 {offsets = [1112, 0], sizes = [8, 256], strides = [1, 1]} : vector<1120x256xbf16> to vector<8x256xbf16>
    %slice3A_56 = vector.extract_strided_slice %select_n3A_55 {offsets = [0, 0], sizes = [1112, 256], strides = [1, 1]} : vector<1120x256xbf16> to vector<1112x256xbf16>
    %concatenate3A = tpu.concatenate %slice3A, %slice3A_56 in 0 : vector<8x256xbf16>, vector<1112x256xbf16> -> vector<1120x256xbf16>
    %slice3A_57 = vector.extract_strided_slice %reshape3A {offsets = [1113, 0], sizes = [7, 256], strides = [1, 1]} : vector<1120x256xbf16> to vector<7x256xbf16>
    %slice3A_58 = vector.extract_strided_slice %reshape3A {offsets = [0, 0], sizes = [1113, 256], strides = [1, 1]} : vector<1120x256xbf16> to vector<1113x256xbf16>
    %concatenate3A_59 = tpu.concatenate %slice3A_57, %slice3A_58 in 0 : vector<7x256xbf16>, vector<1113x256xbf16> -> vector<1120x256xbf16>
    %slice3A_60 = vector.extract_strided_slice %select_n3A_47 {offsets = [1114, 0], sizes = [6, 256], strides = [1, 1]} : vector<1120x256xbf16> to vector<6x256xbf16>
    %slice3A_61 = vector.extract_strided_slice %select_n3A_47 {offsets = [0, 0], sizes = [1114, 256], strides = [1, 1]} : vector<1120x256xbf16> to vector<1114x256xbf16>
    %concatenate3A_62 = tpu.concatenate %slice3A_60, %slice3A_61 in 0 : vector<6x256xbf16>, vector<1114x256xbf16> -> vector<1120x256xbf16>
    %slice3A_63 = vector.extract_strided_slice %select_n3A_55 {offsets = [1119, 0], sizes = [1, 256], strides = [1, 1]} : vector<1120x256xbf16> to vector<1x256xbf16>
    %slice3A_64 = vector.extract_strided_slice %select_n3A_55 {offsets = [0, 0], sizes = [1119, 256], strides = [1, 1]} : vector<1120x256xbf16> to vector<1119x256xbf16>
    %concatenate3A_65 = tpu.concatenate %slice3A_63, %slice3A_64 in 0 : vector<1x256xbf16>, vector<1119x256xbf16> -> vector<1120x256xbf16>
    %slice3A_66 = vector.extract_strided_slice %select_n3A_47 {offsets = [1, 0], sizes = [1119, 256], strides = [1, 1]} : vector<1120x256xbf16> to vector<1119x256xbf16>
    %slice3A_67 = vector.extract_strided_slice %select_n3A_47 {offsets = [0, 0], sizes = [1, 256], strides = [1, 1]} : vector<1120x256xbf16> to vector<1x256xbf16>
    %concatenate3A_68 = tpu.concatenate %slice3A_66, %slice3A_67 in 0 : vector<1119x256xbf16>, vector<1x256xbf16> -> vector<1120x256xbf16>
    %slice3A_69 = vector.extract_strided_slice %select_n3A_55 {offsets = [6, 0], sizes = [1114, 256], strides = [1, 1]} : vector<1120x256xbf16> to vector<1114x256xbf16>
    %slice3A_70 = vector.extract_strided_slice %select_n3A_55 {offsets = [0, 0], sizes = [6, 256], strides = [1, 1]} : vector<1120x256xbf16> to vector<6x256xbf16>
    %concatenate3A_71 = tpu.concatenate %slice3A_69, %slice3A_70 in 0 : vector<1114x256xbf16>, vector<6x256xbf16> -> vector<1120x256xbf16>
    %slice3A_72 = vector.extract_strided_slice %reshape3A {offsets = [7, 0], sizes = [1113, 256], strides = [1, 1]} : vector<1120x256xbf16> to vector<1113x256xbf16>
    %slice3A_73 = vector.extract_strided_slice %reshape3A {offsets = [0, 0], sizes = [7, 256], strides = [1, 1]} : vector<1120x256xbf16> to vector<7x256xbf16>
    %concatenate3A_74 = tpu.concatenate %slice3A_72, %slice3A_73 in 0 : vector<1113x256xbf16>, vector<7x256xbf16> -> vector<1120x256xbf16>
    %slice3A_75 = vector.extract_strided_slice %select_n3A_47 {offsets = [8, 0], sizes = [1112, 256], strides = [1, 1]} : vector<1120x256xbf16> to vector<1112x256xbf16>
    %slice3A_76 = vector.extract_strided_slice %select_n3A_47 {offsets = [0, 0], sizes = [8, 256], strides = [1, 1]} : vector<1120x256xbf16> to vector<8x256xbf16>
    %concatenate3A_77 = tpu.concatenate %slice3A_75, %slice3A_76 in 0 : vector<1112x256xbf16>, vector<8x256xbf16> -> vector<1120x256xbf16>
    %iota3A_78 = tpu.iota {dimensions = array<i32: 1>} : vector<10x560xi32>
    %iota3A_79 = tpu.iota {dimensions = array<i32: 0>} : vector<10x560xi32>
    %jit3A_80 = arith.constant 56 : i32
    %div3A = vector.broadcast %jit3A_80 : i32 to vector<10x560xi32>
    %div3A_81 = arith.divsi %iota3A_78, %div3A : vector<10x560xi32>
    %sign3A = arith.constant 0 : i32
    %sign3A_82 = vector.broadcast %sign3A : i32 to vector<10x560xi32>
    %sign3A_83 = arith.cmpi sgt, %iota3A_78, %sign3A_82 : vector<10x560xi32>
    %sign3A_84 = arith.extui %sign3A_83 : vector<10x560xi1> to vector<10x560xi32>
    %sign3A_85 = arith.constant 0 : i32
    %sign3A_86 = vector.broadcast %sign3A_85 : i32 to vector<10x560xi32>
    %sign3A_87 = arith.cmpi slt, %iota3A_78, %sign3A_86 : vector<10x560xi32>
    %sign3A_88 = arith.extui %sign3A_87 : vector<10x560xi1> to vector<10x560xi32>
    %sign3A_89 = arith.subi %sign3A_84, %sign3A_88 : vector<10x560xi32>
    %sign3A_90 = arith.constant 0 : i32
    %sign3A_91 = arith.cmpi sgt, %jit3A_80, %sign3A_90 : i32
    %sign3A_92 = arith.extui %sign3A_91 : i1 to i32
    %sign3A_93 = arith.constant 0 : i32
    %sign3A_94 = arith.cmpi slt, %jit3A_80, %sign3A_93 : i32
    %sign3A_95 = arith.extui %sign3A_94 : i1 to i32
    %sign3A_96 = arith.subi %sign3A_92, %sign3A_95 : i32
    %ne3A_97 = vector.broadcast %sign3A_96 : i32 to vector<10x560xi32>
    %ne3A_98 = arith.cmpi ne, %sign3A_89, %ne3A_97 : vector<10x560xi32>
    %rem3A_99 = vector.broadcast %jit3A_80 : i32 to vector<10x560xi32>
    %rem3A_100 = arith.remsi %iota3A_78, %rem3A_99 : vector<10x560xi32>
    %ne3A_101 = arith.constant 0 : i32
    %ne3A_102 = vector.broadcast %ne3A_101 : i32 to vector<10x560xi32>
    %ne3A_103 = arith.cmpi ne, %rem3A_100, %ne3A_102 : vector<10x560xi32>
    %and3A_104 = arith.andi %ne3A_98, %ne3A_103 : vector<10x560xi1>
    %sub3A = arith.constant 1 : i32
    %sub3A_105 = vector.broadcast %sub3A : i32 to vector<10x560xi32>
    %sub3A_106 = arith.subi %div3A_81, %sub3A_105 : vector<10x560xi32>
    %select_n3A_107 = arith.select %and3A_104, %sub3A_106, %div3A_81 : vector<10x560xi1>, vector<10x560xi32>
    %eq3A_108 = arith.cmpi eq, %select_n3A_107, %iota3A_79 : vector<10x560xi32>
    %jit3A_109 = arith.constant 56 : i32
    %eq3A_110 = arith.constant 0 : i32
    %eq3A_111 = arith.cmpi eq, %jit3A_109, %eq3A_110 : i32
    %jit3A_112 = arith.constant 1 : i32
    %select_n3A_113 = arith.select %eq3A_111, %jit3A_112, %jit3A_109 : i32
    %rem3A_114 = vector.broadcast %select_n3A_113 : i32 to vector<10x560xi32>
    %rem3A_115 = arith.remsi %iota3A_78, %rem3A_114 : vector<10x560xi32>
    %ne3A_116 = arith.constant 0 : i32
    %ne3A_117 = vector.broadcast %ne3A_116 : i32 to vector<10x560xi32>
    %ne3A_118 = arith.cmpi ne, %rem3A_115, %ne3A_117 : vector<10x560xi32>
    %lt3A_119 = arith.constant 0 : i32
    %lt3A_120 = vector.broadcast %lt3A_119 : i32 to vector<10x560xi32>
    %lt3A_121 = arith.cmpi slt, %rem3A_115, %lt3A_120 : vector<10x560xi32>
    %lt3A_122 = arith.constant 0 : i32
    %lt3A_123 = arith.cmpi slt, %select_n3A_113, %lt3A_122 : i32
    %ne3A_124 = vector.broadcast %lt3A_123 : i1 to vector<10x560xi1>
    %ne3A_125 = vector.broadcast %ne3A_124 : vector<10x560xi1> to vector<10x560xi1>
    %ne3A_126 = arith.xori %lt3A_121, %ne3A_125 : vector<10x560xi1>
    %and3A_127 = arith.andi %ne3A_126, %ne3A_118 : vector<10x560xi1>
    %add3A_128 = vector.broadcast %select_n3A_113 : i32 to vector<10x560xi32>
    %add3A_129 = arith.addi %rem3A_115, %add3A_128 : vector<10x560xi32>
    %select_n3A_130 = arith.select %and3A_127, %add3A_129, %rem3A_115 : vector<10x560xi1>, vector<10x560xi32>
    %lt3A_131 = arith.constant 49 : i32
    %lt3A_132 = vector.broadcast %lt3A_131 : i32 to vector<10x560xi32>
    %lt3A_133 = arith.cmpi slt, %select_n3A_130, %lt3A_132 : vector<10x560xi32>
    %and3A_134 = arith.andi %eq3A_108, %lt3A_133 : vector<10x560xi1>
    %jit3A_135 = arith.constant 0.0204081628 : f32
    %jit3A_136 = arith.constant 0.000000e+00 : f32
    %broadcast_in_dim3A_137 = vector.broadcast %jit3A_135 : f32 to vector<10x560xf32>
    %broadcast_in_dim3A_138 = vector.broadcast %jit3A_136 : f32 to vector<10x560xf32>
    %select_n3A_139 = arith.select %and3A_134, %broadcast_in_dim3A_137, %broadcast_in_dim3A_138 : vector<10x560xi1>, vector<10x560xf32>
    %slice3A_140 = vector.extract_strided_slice %concatenate3A {offsets = [0, 0], sizes = [560, 256], strides = [1, 1]} : vector<1120x256xbf16> to vector<560x256xbf16>
    %slice3A_141 = vector.extract_strided_slice %concatenate3A_59 {offsets = [0, 0], sizes = [560, 256], strides = [1, 1]} : vector<1120x256xbf16> to vector<560x256xbf16>
    %slice3A_142 = vector.extract_strided_slice %concatenate3A_62 {offsets = [0, 0], sizes = [560, 256], strides = [1, 1]} : vector<1120x256xbf16> to vector<560x256xbf16>
    %slice3A_143 = vector.extract_strided_slice %concatenate3A_65 {offsets = [0, 0], sizes = [560, 256], strides = [1, 1]} : vector<1120x256xbf16> to vector<560x256xbf16>
    %slice3A_144 = vector.extract_strided_slice %reshape3A {offsets = [0, 0], sizes = [560, 256], strides = [1, 1]} : vector<1120x256xbf16> to vector<560x256xbf16>
    %slice3A_145 = vector.extract_strided_slice %concatenate3A_68 {offsets = [0, 0], sizes = [560, 256], strides = [1, 1]} : vector<1120x256xbf16> to vector<560x256xbf16>
    %slice3A_146 = vector.extract_strided_slice %concatenate3A_71 {offsets = [0, 0], sizes = [560, 256], strides = [1, 1]} : vector<1120x256xbf16> to vector<560x256xbf16>
    %slice3A_147 = vector.extract_strided_slice %concatenate3A_74 {offsets = [0, 0], sizes = [560, 256], strides = [1, 1]} : vector<1120x256xbf16> to vector<560x256xbf16>
    %slice3A_148 = vector.extract_strided_slice %concatenate3A_77 {offsets = [0, 0], sizes = [560, 256], strides = [1, 1]} : vector<1120x256xbf16> to vector<560x256xbf16>
    %concatenate3A_149 = tpu.concatenate %slice3A_140, %slice3A_141, %slice3A_142, %slice3A_143, %slice3A_144, %slice3A_145, %slice3A_146, %slice3A_147, %slice3A_148 in 1 : vector<560x256xbf16>, vector<560x256xbf16>, vector<560x256xbf16>, vector<560x256xbf16>, vector<560x256xbf16>, vector<560x256xbf16>, vector<560x256xbf16>, vector<560x256xbf16>, vector<560x256xbf16> -> vector<560x2304xbf16>
    %get3A_150 = arith.constant 0 : index
    %get3A_151 = arith.constant 0 : index
    %get3A_152 = vector.load %arg2[%get3A_150, %get3A_151] : memref<2304x1024xbf16, #tpu.memory_space<vmem>>, vector<2304x1024xbf16>
    %dot_general3A = arith.constant dense<0.000000e+00> : vector<560x1024xf32>
    %dot_general3A_153 = tpu.matmul %concatenate3A_149, %get3A_152, %dot_general3A {dimension_numbers = #tpu.dot_dimension_numbers<[1], [0], [0], [1], [0, 0, 1, 1], [], []>, transpose_lhs_hint = false} : vector<560x2304xbf16>, vector<2304x1024xbf16>, vector<560x1024xf32> -> vector<560x1024xf32>
    %get3A_154 = arith.constant 0 : index
    %get3A_155 = arith.constant 0 : index
    %get3A_156 = vector.load %arg3[%get3A_154, %get3A_155] : memref<1x1024xf32, #tpu.memory_space<vmem>>, vector<1x1024xf32>
    %get3A_157 = vector.shape_cast %get3A_156 : vector<1x1024xf32> to vector<1024xf32>
    %broadcast_in_dim3A_158 = vector.shape_cast %get3A_157 : vector<1024xf32> to vector<1x1024xf32>
    %add3A_159 = vector.broadcast %broadcast_in_dim3A_158 : vector<1x1024xf32> to vector<560x1024xf32>
    %add3A_160 = arith.addf %dot_general3A_153, %add3A_159 : vector<560x1024xf32>
    %max3A = arith.constant 0.000000e+00 : f32
    %max3A_161 = vector.broadcast %max3A : f32 to vector<560x1024xf32>
    %max3A_162 = arith.maximumf %add3A_160, %max3A_161 : vector<560x1024xf32>
    %slice3A_163 = vector.extract_strided_slice %max3A_162 {offsets = [0, 0], sizes = [49, 1024], strides = [1, 1]} : vector<560x1024xf32> to vector<49x1024xf32>
    %slice3A_164 = vector.extract_strided_slice %slice3A_163 {offsets = [0, 0], sizes = [49, 128], strides = [1, 1]} : vector<49x1024xf32> to vector<49x128xf32>
    %slice3A_165 = vector.extract_strided_slice %slice3A_163 {offsets = [0, 128], sizes = [49, 128], strides = [1, 1]} : vector<49x1024xf32> to vector<49x128xf32>
    %slice3A_166 = vector.extract_strided_slice %slice3A_163 {offsets = [0, 256], sizes = [49, 128], strides = [1, 1]} : vector<49x1024xf32> to vector<49x128xf32>
    %slice3A_167 = vector.extract_strided_slice %slice3A_163 {offsets = [0, 384], sizes = [49, 128], strides = [1, 1]} : vector<49x1024xf32> to vector<49x128xf32>
    %slice3A_168 = vector.extract_strided_slice %slice3A_163 {offsets = [0, 512], sizes = [49, 128], strides = [1, 1]} : vector<49x1024xf32> to vector<49x128xf32>
    %slice3A_169 = vector.extract_strided_slice %slice3A_163 {offsets = [0, 640], sizes = [49, 128], strides = [1, 1]} : vector<49x1024xf32> to vector<49x128xf32>
    %slice3A_170 = vector.extract_strided_slice %slice3A_163 {offsets = [0, 768], sizes = [49, 128], strides = [1, 1]} : vector<49x1024xf32> to vector<49x128xf32>
    %slice3A_171 = vector.extract_strided_slice %slice3A_163 {offsets = [0, 896], sizes = [49, 128], strides = [1, 1]} : vector<49x1024xf32> to vector<49x128xf32>
    %concatenate3A_172 = tpu.concatenate %slice3A_164, %slice3A_165, %slice3A_166, %slice3A_167, %slice3A_168, %slice3A_169, %slice3A_170, %slice3A_171 in 0 : vector<49x128xf32>, vector<49x128xf32>, vector<49x128xf32>, vector<49x128xf32>, vector<49x128xf32>, vector<49x128xf32>, vector<49x128xf32>, vector<49x128xf32> -> vector<392x128xf32>
    %transpose3A_173 = tpu.transpose %concatenate3A_172, [1, 0] : vector<392x128xf32> -> vector<128x392xf32>
    %swap3A = arith.constant 0 : index
    %swap3A_174 = arith.constant 0 : index
    %swap3A_175 = arith.constant 0 : index
    %swap3A_176 = vector.load %arg8[%swap3A, %swap3A_174, %swap3A_175] : memref<20x128x392xf32, #tpu.memory_space<vmem>>, vector<1x128x392xf32>
    %swap3A_177 = vector.shape_cast %swap3A_176 : vector<1x128x392xf32> to vector<128x392xf32>
    %swap3A_178 = vector.shape_cast %transpose3A_173 : vector<128x392xf32> to vector<1x128x392xf32>
    tpu.vector_store %arg8[%swap3A, %swap3A_174, %swap3A_175], %swap3A_178 {strides = array<i32>} : memref<20x128x392xf32, #tpu.memory_space<vmem>>, vector<1x128x392xf32>,
    %slice3A_179 = vector.extract_strided_slice %max3A_162 {offsets = [56, 0], sizes = [49, 1024], strides = [1, 1]} : vector<560x1024xf32> to vector<49x1024xf32>
    %slice3A_180 = vector.extract_strided_slice %slice3A_179 {offsets = [0, 0], sizes = [49, 128], strides = [1, 1]} : vector<49x1024xf32> to vector<49x128xf32>
    %slice3A_181 = vector.extract_strided_slice %slice3A_179 {offsets = [0, 128], sizes = [49, 128], strides = [1, 1]} : vector<49x1024xf32> to vector<49x128xf32>
    %slice3A_182 = vector.extract_strided_slice %slice3A_179 {offsets = [0, 256], sizes = [49, 128], strides = [1, 1]} : vector<49x1024xf32> to vector<49x128xf32>
    %slice3A_183 = vector.extract_strided_slice %slice3A_179 {offsets = [0, 384], sizes = [49, 128], strides = [1, 1]} : vector<49x1024xf32> to vector<49x128xf32>
    %slice3A_184 = vector.extract_strided_slice %slice3A_179 {offsets = [0, 512], sizes = [49, 128], strides = [1, 1]} : vector<49x1024xf32> to vector<49x128xf32>
    %slice3A_185 = vector.extract_strided_slice %slice3A_179 {offsets = [0, 640], sizes = [49, 128], strides = [1, 1]} : vector<49x1024xf32> to vector<49x128xf32>
    %slice3A_186 = vector.extract_strided_slice %slice3A_179 {offsets = [0, 768], sizes = [49, 128], strides = [1, 1]} : vector<49x1024xf32> to vector<49x128xf32>
    %slice3A_187 = vector.extract_strided_slice %slice3A_179 {offsets = [0, 896], sizes = [49, 128], strides = [1, 1]} : vector<49x1024xf32> to vector<49x128xf32>
    %concatenate3A_188 = tpu.concatenate %slice3A_180, %slice3A_181, %slice3A_182, %slice3A_183, %slice3A_184, %slice3A_185, %slice3A_186, %slice3A_187 in 0 : vector<49x128xf32>, vector<49x128xf32>, vector<49x128xf32>, vector<49x128xf32>, vector<49x128xf32>, vector<49x128xf32>, vector<49x128xf32>, vector<49x128xf32> -> vector<392x128xf32>
    %transpose3A_189 = tpu.transpose %concatenate3A_188, [1, 0] : vector<392x128xf32> -> vector<128x392xf32>
    %swap3A_190 = arith.constant 1 : index
    %swap3A_191 = arith.constant 0 : index
    %swap3A_192 = arith.constant 0 : index
    %swap3A_193 = vector.load %arg8[%swap3A_190, %swap3A_191, %swap3A_192] : memref<20x128x392xf32, #tpu.memory_space<vmem>>, vector<1x128x392xf32>
    %swap3A_194 = vector.shape_cast %swap3A_193 : vector<1x128x392xf32> to vector<128x392xf32>
    %swap3A_195 = vector.shape_cast %transpose3A_189 : vector<128x392xf32> to vector<1x128x392xf32>
    tpu.vector_store %arg8[%swap3A_190, %swap3A_191, %swap3A_192], %swap3A_195 {strides = array<i32>} : memref<20x128x392xf32, #tpu.memory_space<vmem>>, vector<1x128x392xf32>,
    %slice3A_196 = vector.extract_strided_slice %max3A_162 {offsets = [112, 0], sizes = [49, 1024], strides = [1, 1]} : vector<560x1024xf32> to vector<49x1024xf32>
    %slice3A_197 = vector.extract_strided_slice %slice3A_196 {offsets = [0, 0], sizes = [49, 128], strides = [1, 1]} : vector<49x1024xf32> to vector<49x128xf32>
    %slice3A_198 = vector.extract_strided_slice %slice3A_196 {offsets = [0, 128], sizes = [49, 128], strides = [1, 1]} : vector<49x1024xf32> to vector<49x128xf32>
    %slice3A_199 = vector.extract_strided_slice %slice3A_196 {offsets = [0, 256], sizes = [49, 128], strides = [1, 1]} : vector<49x1024xf32> to vector<49x128xf32>
    %slice3A_200 = vector.extract_strided_slice %slice3A_196 {offsets = [0, 384], sizes = [49, 128], strides = [1, 1]} : vector<49x1024xf32> to vector<49x128xf32>
    %slice3A_201 = vector.extract_strided_slice %slice3A_196 {offsets = [0, 512], sizes = [49, 128], strides = [1, 1]} : vector<49x1024xf32> to vector<49x128xf32>
    %slice3A_202 = vector.extract_strided_slice %slice3A_196 {offsets = [0, 640], sizes = [49, 128], strides = [1, 1]} : vector<49x1024xf32> to vector<49x128xf32>
    %slice3A_203 = vector.extract_strided_slice %slice3A_196 {offsets = [0, 768], sizes = [49, 128], strides = [1, 1]} : vector<49x1024xf32> to vector<49x128xf32>
    %slice3A_204 = vector.extract_strided_slice %slice3A_196 {offsets = [0, 896], sizes = [49, 128], strides = [1, 1]} : vector<49x1024xf32> to vector<49x128xf32>
    %concatenate3A_205 = tpu.concatenate %slice3A_197, %slice3A_198, %slice3A_199, %slice3A_200, %slice3A_201, %slice3A_202, %slice3A_203, %slice3A_204 in 0 : vector<49x128xf32>, vector<49x128xf32>, vector<49x128xf32>, vector<49x128xf32>, vector<49x128xf32>, vector<49x128xf32>, vector<49x128xf32>, vector<49x128xf32> -> vector<392x128xf32>
    %transpose3A_206 = tpu.transpose %concatenate3A_205, [1, 0] : vector<392x128xf32> -> vector<128x392xf32>
    %swap3A_207 = arith.constant 2 : index
    %swap3A_208 = arith.constant 0 : index
    %swap3A_209 = arith.constant 0 : index
    %swap3A_210 = vector.load %arg8[%swap3A_207, %swap3A_208, %swap3A_209] : memref<20x128x392xf32, #tpu.memory_space<vmem>>, vector<1x128x392xf32>
    %swap3A_211 = vector.shape_cast %swap3A_210 : vector<1x128x392xf32> to vector<128x392xf32>
    %swap3A_212 = vector.shape_cast %transpose3A_206 : vector<128x392xf32> to vector<1x128x392xf32>
    tpu.vector_store %arg8[%swap3A_207, %swap3A_208, %swap3A_209], %swap3A_212 {strides = array<i32>} : memref<20x128x392xf32, #tpu.memory_space<vmem>>, vector<1x128x392xf32>,
    %slice3A_213 = vector.extract_strided_slice %max3A_162 {offsets = [168, 0], sizes = [49, 1024], strides = [1, 1]} : vector<560x1024xf32> to vector<49x1024xf32>
    %slice3A_214 = vector.extract_strided_slice %slice3A_213 {offsets = [0, 0], sizes = [49, 128], strides = [1, 1]} : vector<49x1024xf32> to vector<49x128xf32>
    %slice3A_215 = vector.extract_strided_slice %slice3A_213 {offsets = [0, 128], sizes = [49, 128], strides = [1, 1]} : vector<49x1024xf32> to vector<49x128xf32>
    %slice3A_216 = vector.extract_strided_slice %slice3A_213 {offsets = [0, 256], sizes = [49, 128], strides = [1, 1]} : vector<49x1024xf32> to vector<49x128xf32>
    %slice3A_217 = vector.extract_strided_slice %slice3A_213 {offsets = [0, 384], sizes = [49, 128], strides = [1, 1]} : vector<49x1024xf32> to vector<49x128xf32>
    %slice3A_218 = vector.extract_strided_slice %slice3A_213 {offsets = [0, 512], sizes = [49, 128], strides = [1, 1]} : vector<49x1024xf32> to vector<49x128xf32>
    %slice3A_219 = vector.extract_strided_slice %slice3A_213 {offsets = [0, 640], sizes = [49, 128], strides = [1, 1]} : vector<49x1024xf32> to vector<49x128xf32>
    %slice3A_220 = vector.extract_strided_slice %slice3A_213 {offsets = [0, 768], sizes = [49, 128], strides = [1, 1]} : vector<49x1024xf32> to vector<49x128xf32>
    %slice3A_221 = vector.extract_strided_slice %slice3A_213 {offsets = [0, 896], sizes = [49, 128], strides = [1, 1]} : vector<49x1024xf32> to vector<49x128xf32>
    %concatenate3A_222 = tpu.concatenate %slice3A_214, %slice3A_215, %slice3A_216, %slice3A_217, %slice3A_218, %slice3A_219, %slice3A_220, %slice3A_221 in 0 : vector<49x128xf32>, vector<49x128xf32>, vector<49x128xf32>, vector<49x128xf32>, vector<49x128xf32>, vector<49x128xf32>, vector<49x128xf32>, vector<49x128xf32> -> vector<392x128xf32>
    %transpose3A_223 = tpu.transpose %concatenate3A_222, [1, 0] : vector<392x128xf32> -> vector<128x392xf32>
    %swap3A_224 = arith.constant 3 : index
    %swap3A_225 = arith.constant 0 : index
    %swap3A_226 = arith.constant 0 : index
    %swap3A_227 = vector.load %arg8[%swap3A_224, %swap3A_225, %swap3A_226] : memref<20x128x392xf32, #tpu.memory_space<vmem>>, vector<1x128x392xf32>
    %swap3A_228 = vector.shape_cast %swap3A_227 : vector<1x128x392xf32> to vector<128x392xf32>
    %swap3A_229 = vector.shape_cast %transpose3A_223 : vector<128x392xf32> to vector<1x128x392xf32>
    tpu.vector_store %arg8[%swap3A_224, %swap3A_225, %swap3A_226], %swap3A_229 {strides = array<i32>} : memref<20x128x392xf32, #tpu.memory_space<vmem>>, vector<1x128x392xf32>,
    %slice3A_230 = vector.extract_strided_slice %max3A_162 {offsets = [224, 0], sizes = [49, 1024], strides = [1, 1]} : vector<560x1024xf32> to vector<49x1024xf32>
    %slice3A_231 = vector.extract_strided_slice %slice3A_230 {offsets = [0, 0], sizes = [49, 128], strides = [1, 1]} : vector<49x1024xf32> to vector<49x128xf32>
    %slice3A_232 = vector.extract_strided_slice %slice3A_230 {offsets = [0, 128], sizes = [49, 128], strides = [1, 1]} : vector<49x1024xf32> to vector<49x128xf32>
    %slice3A_233 = vector.extract_strided_slice %slice3A_230 {offsets = [0, 256], sizes = [49, 128], strides = [1, 1]} : vector<49x1024xf32> to vector<49x128xf32>
    %slice3A_234 = vector.extract_strided_slice %slice3A_230 {offsets = [0, 384], sizes = [49, 128], strides = [1, 1]} : vector<49x1024xf32> to vector<49x128xf32>
    %slice3A_235 = vector.extract_strided_slice %slice3A_230 {offsets = [0, 512], sizes = [49, 128], strides = [1, 1]} : vector<49x1024xf32> to vector<49x128xf32>
    %slice3A_236 = vector.extract_strided_slice %slice3A_230 {offsets = [0, 640], sizes = [49, 128], strides = [1, 1]} : vector<49x1024xf32> to vector<49x128xf32>
    %slice3A_237 = vector.extract_strided_slice %slice3A_230 {offsets = [0, 768], sizes = [49, 128], strides = [1, 1]} : vector<49x1024xf32> to vector<49x128xf32>
    %slice3A_238 = vector.extract_strided_slice %slice3A_230 {offsets = [0, 896], sizes = [49, 128], strides = [1, 1]} : vector<49x1024xf32> to vector<49x128xf32>
    %concatenate3A_239 = tpu.concatenate %slice3A_231, %slice3A_232, %slice3A_233, %slice3A_234, %slice3A_235, %slice3A_236, %slice3A_237, %slice3A_238 in 0 : vector<49x128xf32>, vector<49x128xf32>, vector<49x128xf32>, vector<49x128xf32>, vector<49x128xf32>, vector<49x128xf32>, vector<49x128xf32>, vector<49x128xf32> -> vector<392x128xf32>
    %transpose3A_240 = tpu.transpose %concatenate3A_239, [1, 0] : vector<392x128xf32> -> vector<128x392xf32>
    %swap3A_241 = arith.constant 4 : index
    %swap3A_242 = arith.constant 0 : index
    %swap3A_243 = arith.constant 0 : index
    %swap3A_244 = vector.load %arg8[%swap3A_241, %swap3A_242, %swap3A_243] : memref<20x128x392xf32, #tpu.memory_space<vmem>>, vector<1x128x392xf32>
    %swap3A_245 = vector.shape_cast %swap3A_244 : vector<1x128x392xf32> to vector<128x392xf32>
    %swap3A_246 = vector.shape_cast %transpose3A_240 : vector<128x392xf32> to vector<1x128x392xf32>
    tpu.vector_store %arg8[%swap3A_241, %swap3A_242, %swap3A_243], %swap3A_246 {strides = array<i32>} : memref<20x128x392xf32, #tpu.memory_space<vmem>>, vector<1x128x392xf32>,
    %slice3A_247 = vector.extract_strided_slice %max3A_162 {offsets = [280, 0], sizes = [49, 1024], strides = [1, 1]} : vector<560x1024xf32> to vector<49x1024xf32>
    %slice3A_248 = vector.extract_strided_slice %slice3A_247 {offsets = [0, 0], sizes = [49, 128], strides = [1, 1]} : vector<49x1024xf32> to vector<49x128xf32>
    %slice3A_249 = vector.extract_strided_slice %slice3A_247 {offsets = [0, 128], sizes = [49, 128], strides = [1, 1]} : vector<49x1024xf32> to vector<49x128xf32>
    %slice3A_250 = vector.extract_strided_slice %slice3A_247 {offsets = [0, 256], sizes = [49, 128], strides = [1, 1]} : vector<49x1024xf32> to vector<49x128xf32>
    %slice3A_251 = vector.extract_strided_slice %slice3A_247 {offsets = [0, 384], sizes = [49, 128], strides = [1, 1]} : vector<49x1024xf32> to vector<49x128xf32>
    %slice3A_252 = vector.extract_strided_slice %slice3A_247 {offsets = [0, 512], sizes = [49, 128], strides = [1, 1]} : vector<49x1024xf32> to vector<49x128xf32>
    %slice3A_253 = vector.extract_strided_slice %slice3A_247 {offsets = [0, 640], sizes = [49, 128], strides = [1, 1]} : vector<49x1024xf32> to vector<49x128xf32>
    %slice3A_254 = vector.extract_strided_slice %slice3A_247 {offsets = [0, 768], sizes = [49, 128], strides = [1, 1]} : vector<49x1024xf32> to vector<49x128xf32>
    %slice3A_255 = vector.extract_strided_slice %slice3A_247 {offsets = [0, 896], sizes = [49, 128], strides = [1, 1]} : vector<49x1024xf32> to vector<49x128xf32>
    %concatenate3A_256 = tpu.concatenate %slice3A_248, %slice3A_249, %slice3A_250, %slice3A_251, %slice3A_252, %slice3A_253, %slice3A_254, %slice3A_255 in 0 : vector<49x128xf32>, vector<49x128xf32>, vector<49x128xf32>, vector<49x128xf32>, vector<49x128xf32>, vector<49x128xf32>, vector<49x128xf32>, vector<49x128xf32> -> vector<392x128xf32>
    %transpose3A_257 = tpu.transpose %concatenate3A_256, [1, 0] : vector<392x128xf32> -> vector<128x392xf32>
    %swap3A_258 = arith.constant 5 : index
    %swap3A_259 = arith.constant 0 : index
    %swap3A_260 = arith.constant 0 : index
    %swap3A_261 = vector.load %arg8[%swap3A_258, %swap3A_259, %swap3A_260] : memref<20x128x392xf32, #tpu.memory_space<vmem>>, vector<1x128x392xf32>
    %swap3A_262 = vector.shape_cast %swap3A_261 : vector<1x128x392xf32> to vector<128x392xf32>
    %swap3A_263 = vector.shape_cast %transpose3A_257 : vector<128x392xf32> to vector<1x128x392xf32>
    tpu.vector_store %arg8[%swap3A_258, %swap3A_259, %swap3A_260], %swap3A_263 {strides = array<i32>} : memref<20x128x392xf32, #tpu.memory_space<vmem>>, vector<1x128x392xf32>,
    %slice3A_264 = vector.extract_strided_slice %max3A_162 {offsets = [336, 0], sizes = [49, 1024], strides = [1, 1]} : vector<560x1024xf32> to vector<49x1024xf32>
    %slice3A_265 = vector.extract_strided_slice %slice3A_264 {offsets = [0, 0], sizes = [49, 128], strides = [1, 1]} : vector<49x1024xf32> to vector<49x128xf32>
    %slice3A_266 = vector.extract_strided_slice %slice3A_264 {offsets = [0, 128], sizes = [49, 128], strides = [1, 1]} : vector<49x1024xf32> to vector<49x128xf32>
    %slice3A_267 = vector.extract_strided_slice %slice3A_264 {offsets = [0, 256], sizes = [49, 128], strides = [1, 1]} : vector<49x1024xf32> to vector<49x128xf32>
    %slice3A_268 = vector.extract_strided_slice %slice3A_264 {offsets = [0, 384], sizes = [49, 128], strides = [1, 1]} : vector<49x1024xf32> to vector<49x128xf32>
    %slice3A_269 = vector.extract_strided_slice %slice3A_264 {offsets = [0, 512], sizes = [49, 128], strides = [1, 1]} : vector<49x1024xf32> to vector<49x128xf32>
    %slice3A_270 = vector.extract_strided_slice %slice3A_264 {offsets = [0, 640], sizes = [49, 128], strides = [1, 1]} : vector<49x1024xf32> to vector<49x128xf32>
    %slice3A_271 = vector.extract_strided_slice %slice3A_264 {offsets = [0, 768], sizes = [49, 128], strides = [1, 1]} : vector<49x1024xf32> to vector<49x128xf32>
    %slice3A_272 = vector.extract_strided_slice %slice3A_264 {offsets = [0, 896], sizes = [49, 128], strides = [1, 1]} : vector<49x1024xf32> to vector<49x128xf32>
    %concatenate3A_273 = tpu.concatenate %slice3A_265, %slice3A_266, %slice3A_267, %slice3A_268, %slice3A_269, %slice3A_270, %slice3A_271, %slice3A_272 in 0 : vector<49x128xf32>, vector<49x128xf32>, vector<49x128xf32>, vector<49x128xf32>, vector<49x128xf32>, vector<49x128xf32>, vector<49x128xf32>, vector<49x128xf32> -> vector<392x128xf32>
    %transpose3A_274 = tpu.transpose %concatenate3A_273, [1, 0] : vector<392x128xf32> -> vector<128x392xf32>
    %swap3A_275 = arith.constant 6 : index
    %swap3A_276 = arith.constant 0 : index
    %swap3A_277 = arith.constant 0 : index
    %swap3A_278 = vector.load %arg8[%swap3A_275, %swap3A_276, %swap3A_277] : memref<20x128x392xf32, #tpu.memory_space<vmem>>, vector<1x128x392xf32>
    %swap3A_279 = vector.shape_cast %swap3A_278 : vector<1x128x392xf32> to vector<128x392xf32>
    %swap3A_280 = vector.shape_cast %transpose3A_274 : vector<128x392xf32> to vector<1x128x392xf32>
    tpu.vector_store %arg8[%swap3A_275, %swap3A_276, %swap3A_277], %swap3A_280 {strides = array<i32>} : memref<20x128x392xf32, #tpu.memory_space<vmem>>, vector<1x128x392xf32>,
    %slice3A_281 = vector.extract_strided_slice %max3A_162 {offsets = [392, 0], sizes = [49, 1024], strides = [1, 1]} : vector<560x1024xf32> to vector<49x1024xf32>
    %slice3A_282 = vector.extract_strided_slice %slice3A_281 {offsets = [0, 0], sizes = [49, 128], strides = [1, 1]} : vector<49x1024xf32> to vector<49x128xf32>
    %slice3A_283 = vector.extract_strided_slice %slice3A_281 {offsets = [0, 128], sizes = [49, 128], strides = [1, 1]} : vector<49x1024xf32> to vector<49x128xf32>
    %slice3A_284 = vector.extract_strided_slice %slice3A_281 {offsets = [0, 256], sizes = [49, 128], strides = [1, 1]} : vector<49x1024xf32> to vector<49x128xf32>
    %slice3A_285 = vector.extract_strided_slice %slice3A_281 {offsets = [0, 384], sizes = [49, 128], strides = [1, 1]} : vector<49x1024xf32> to vector<49x128xf32>
    %slice3A_286 = vector.extract_strided_slice %slice3A_281 {offsets = [0, 512], sizes = [49, 128], strides = [1, 1]} : vector<49x1024xf32> to vector<49x128xf32>
    %slice3A_287 = vector.extract_strided_slice %slice3A_281 {offsets = [0, 640], sizes = [49, 128], strides = [1, 1]} : vector<49x1024xf32> to vector<49x128xf32>
    %slice3A_288 = vector.extract_strided_slice %slice3A_281 {offsets = [0, 768], sizes = [49, 128], strides = [1, 1]} : vector<49x1024xf32> to vector<49x128xf32>
    %slice3A_289 = vector.extract_strided_slice %slice3A_281 {offsets = [0, 896], sizes = [49, 128], strides = [1, 1]} : vector<49x1024xf32> to vector<49x128xf32>
    %concatenate3A_290 = tpu.concatenate %slice3A_282, %slice3A_283, %slice3A_284, %slice3A_285, %slice3A_286, %slice3A_287, %slice3A_288, %slice3A_289 in 0 : vector<49x128xf32>, vector<49x128xf32>, vector<49x128xf32>, vector<49x128xf32>, vector<49x128xf32>, vector<49x128xf32>, vector<49x128xf32>, vector<49x128xf32> -> vector<392x128xf32>
    %transpose3A_291 = tpu.transpose %concatenate3A_290, [1, 0] : vector<392x128xf32> -> vector<128x392xf32>
    %swap3A_292 = arith.constant 7 : index
    %swap3A_293 = arith.constant 0 : index
    %swap3A_294 = arith.constant 0 : index
    %swap3A_295 = vector.load %arg8[%swap3A_292, %swap3A_293, %swap3A_294] : memref<20x128x392xf32, #tpu.memory_space<vmem>>, vector<1x128x392xf32>
    %swap3A_296 = vector.shape_cast %swap3A_295 : vector<1x128x392xf32> to vector<128x392xf32>
    %swap3A_297 = vector.shape_cast %transpose3A_291 : vector<128x392xf32> to vector<1x128x392xf32>
    tpu.vector_store %arg8[%swap3A_292, %swap3A_293, %swap3A_294], %swap3A_297 {strides = array<i32>} : memref<20x128x392xf32, #tpu.memory_space<vmem>>, vector<1x128x392xf32>,
    %slice3A_298 = vector.extract_strided_slice %max3A_162 {offsets = [448, 0], sizes = [49, 1024], strides = [1, 1]} : vector<560x1024xf32> to vector<49x1024xf32>
    %slice3A_299 = vector.extract_strided_slice %slice3A_298 {offsets = [0, 0], sizes = [49, 128], strides = [1, 1]} : vector<49x1024xf32> to vector<49x128xf32>
    %slice3A_300 = vector.extract_strided_slice %slice3A_298 {offsets = [0, 128], sizes = [49, 128], strides = [1, 1]} : vector<49x1024xf32> to vector<49x128xf32>
    %slice3A_301 = vector.extract_strided_slice %slice3A_298 {offsets = [0, 256], sizes = [49, 128], strides = [1, 1]} : vector<49x1024xf32> to vector<49x128xf32>
    %slice3A_302 = vector.extract_strided_slice %slice3A_298 {offsets = [0, 384], sizes = [49, 128], strides = [1, 1]} : vector<49x1024xf32> to vector<49x128xf32>
    %slice3A_303 = vector.extract_strided_slice %slice3A_298 {offsets = [0, 512], sizes = [49, 128], strides = [1, 1]} : vector<49x1024xf32> to vector<49x128xf32>
    %slice3A_304 = vector.extract_strided_slice %slice3A_298 {offsets = [0, 640], sizes = [49, 128], strides = [1, 1]} : vector<49x1024xf32> to vector<49x128xf32>
    %slice3A_305 = vector.extract_strided_slice %slice3A_298 {offsets = [0, 768], sizes = [49, 128], strides = [1, 1]} : vector<49x1024xf32> to vector<49x128xf32>
    %slice3A_306 = vector.extract_strided_slice %slice3A_298 {offsets = [0, 896], sizes = [49, 128], strides = [1, 1]} : vector<49x1024xf32> to vector<49x128xf32>
    %concatenate3A_307 = tpu.concatenate %slice3A_299, %slice3A_300, %slice3A_301, %slice3A_302, %slice3A_303, %slice3A_304, %slice3A_305, %slice3A_306 in 0 : vector<49x128xf32>, vector<49x128xf32>, vector<49x128xf32>, vector<49x128xf32>, vector<49x128xf32>, vector<49x128xf32>, vector<49x128xf32>, vector<49x128xf32> -> vector<392x128xf32>
    %transpose3A_308 = tpu.transpose %concatenate3A_307, [1, 0] : vector<392x128xf32> -> vector<128x392xf32>
    %swap3A_309 = arith.constant 8 : index
    %swap3A_310 = arith.constant 0 : index
    %swap3A_311 = arith.constant 0 : index
    %swap3A_312 = vector.load %arg8[%swap3A_309, %swap3A_310, %swap3A_311] : memref<20x128x392xf32, #tpu.memory_space<vmem>>, vector<1x128x392xf32>
    %swap3A_313 = vector.shape_cast %swap3A_312 : vector<1x128x392xf32> to vector<128x392xf32>
    %swap3A_314 = vector.shape_cast %transpose3A_308 : vector<128x392xf32> to vector<1x128x392xf32>
    tpu.vector_store %arg8[%swap3A_309, %swap3A_310, %swap3A_311], %swap3A_314 {strides = array<i32>} : memref<20x128x392xf32, #tpu.memory_space<vmem>>, vector<1x128x392xf32>,
    %slice3A_315 = vector.extract_strided_slice %max3A_162 {offsets = [504, 0], sizes = [49, 1024], strides = [1, 1]} : vector<560x1024xf32> to vector<49x1024xf32>
    %slice3A_316 = vector.extract_strided_slice %slice3A_315 {offsets = [0, 0], sizes = [49, 128], strides = [1, 1]} : vector<49x1024xf32> to vector<49x128xf32>
    %slice3A_317 = vector.extract_strided_slice %slice3A_315 {offsets = [0, 128], sizes = [49, 128], strides = [1, 1]} : vector<49x1024xf32> to vector<49x128xf32>
    %slice3A_318 = vector.extract_strided_slice %slice3A_315 {offsets = [0, 256], sizes = [49, 128], strides = [1, 1]} : vector<49x1024xf32> to vector<49x128xf32>
    %slice3A_319 = vector.extract_strided_slice %slice3A_315 {offsets = [0, 384], sizes = [49, 128], strides = [1, 1]} : vector<49x1024xf32> to vector<49x128xf32>
    %slice3A_320 = vector.extract_strided_slice %slice3A_315 {offsets = [0, 512], sizes = [49, 128], strides = [1, 1]} : vector<49x1024xf32> to vector<49x128xf32>
    %slice3A_321 = vector.extract_strided_slice %slice3A_315 {offsets = [0, 640], sizes = [49, 128], strides = [1, 1]} : vector<49x1024xf32> to vector<49x128xf32>
    %slice3A_322 = vector.extract_strided_slice %slice3A_315 {offsets = [0, 768], sizes = [49, 128], strides = [1, 1]} : vector<49x1024xf32> to vector<49x128xf32>
    %slice3A_323 = vector.extract_strided_slice %slice3A_315 {offsets = [0, 896], sizes = [49, 128], strides = [1, 1]} : vector<49x1024xf32> to vector<49x128xf32>
    %concatenate3A_324 = tpu.concatenate %slice3A_316, %slice3A_317, %slice3A_318, %slice3A_319, %slice3A_320, %slice3A_321, %slice3A_322, %slice3A_323 in 0 : vector<49x128xf32>, vector<49x128xf32>, vector<49x128xf32>, vector<49x128xf32>, vector<49x128xf32>, vector<49x128xf32>, vector<49x128xf32>, vector<49x128xf32> -> vector<392x128xf32>
    %transpose3A_325 = tpu.transpose %concatenate3A_324, [1, 0] : vector<392x128xf32> -> vector<128x392xf32>
    %swap3A_326 = arith.constant 9 : index
    %swap3A_327 = arith.constant 0 : index
    %swap3A_328 = arith.constant 0 : index
    %swap3A_329 = vector.load %arg8[%swap3A_326, %swap3A_327, %swap3A_328] : memref<20x128x392xf32, #tpu.memory_space<vmem>>, vector<1x128x392xf32>
    %swap3A_330 = vector.shape_cast %swap3A_329 : vector<1x128x392xf32> to vector<128x392xf32>
    %swap3A_331 = vector.shape_cast %transpose3A_325 : vector<128x392xf32> to vector<1x128x392xf32>
    tpu.vector_store %arg8[%swap3A_326, %swap3A_327, %swap3A_328], %swap3A_331 {strides = array<i32>} : memref<20x128x392xf32, #tpu.memory_space<vmem>>, vector<1x128x392xf32>,
    %dot_general3A_332 = arith.constant dense<0.000000e+00> : vector<10x1024xf32>
    %dot_general3A_333 = tpu.matmul %select_n3A_139, %max3A_162, %dot_general3A_332 {dimension_numbers = #tpu.dot_dimension_numbers<[1], [0], [0], [1], [0, 0, 1, 1], [], []>, transpose_lhs_hint = false} : vector<10x560xf32>, vector<560x1024xf32>, vector<10x1024xf32> -> vector<10x1024xf32>
    %slice3A_334 = vector.extract_strided_slice %concatenate3A {offsets = [560, 0], sizes = [560, 256], strides = [1, 1]} : vector<1120x256xbf16> to vector<560x256xbf16>
    %slice3A_335 = vector.extract_strided_slice %concatenate3A_59 {offsets = [560, 0], sizes = [560, 256], strides = [1, 1]} : vector<1120x256xbf16> to vector<560x256xbf16>
    %slice3A_336 = vector.extract_strided_slice %concatenate3A_62 {offsets = [560, 0], sizes = [560, 256], strides = [1, 1]} : vector<1120x256xbf16> to vector<560x256xbf16>
    %slice3A_337 = vector.extract_strided_slice %concatenate3A_65 {offsets = [560, 0], sizes = [560, 256], strides = [1, 1]} : vector<1120x256xbf16> to vector<560x256xbf16>
    %slice3A_338 = vector.extract_strided_slice %reshape3A {offsets = [560, 0], sizes = [560, 256], strides = [1, 1]} : vector<1120x256xbf16> to vector<560x256xbf16>
    %slice3A_339 = vector.extract_strided_slice %concatenate3A_68 {offsets = [560, 0], sizes = [560, 256], strides = [1, 1]} : vector<1120x256xbf16> to vector<560x256xbf16>
    %slice3A_340 = vector.extract_strided_slice %concatenate3A_71 {offsets = [560, 0], sizes = [560, 256], strides = [1, 1]} : vector<1120x256xbf16> to vector<560x256xbf16>
    %slice3A_341 = vector.extract_strided_slice %concatenate3A_74 {offsets = [560, 0], sizes = [560, 256], strides = [1, 1]} : vector<1120x256xbf16> to vector<560x256xbf16>
    %slice3A_342 = vector.extract_strided_slice %concatenate3A_77 {offsets = [560, 0], sizes = [560, 256], strides = [1, 1]} : vector<1120x256xbf16> to vector<560x256xbf16>
    %concatenate3A_343 = tpu.concatenate %slice3A_334, %slice3A_335, %slice3A_336, %slice3A_337, %slice3A_338, %slice3A_339, %slice3A_340, %slice3A_341, %slice3A_342 in 1 : vector<560x256xbf16>, vector<560x256xbf16>, vector<560x256xbf16>, vector<560x256xbf16>, vector<560x256xbf16>, vector<560x256xbf16>, vector<560x256xbf16>, vector<560x256xbf16>, vector<560x256xbf16> -> vector<560x2304xbf16>
    %get3A_344 = arith.constant 0 : index
    %get3A_345 = arith.constant 0 : index
    %get3A_346 = vector.load %arg2[%get3A_344, %get3A_345] : memref<2304x1024xbf16, #tpu.memory_space<vmem>>, vector<2304x1024xbf16>
    %dot_general3A_347 = arith.constant dense<0.000000e+00> : vector<560x1024xf32>
    %dot_general3A_348 = tpu.matmul %concatenate3A_343, %get3A_346, %dot_general3A_347 {dimension_numbers = #tpu.dot_dimension_numbers<[1], [0], [0], [1], [0, 0, 1, 1], [], []>, transpose_lhs_hint = false} : vector<560x2304xbf16>, vector<2304x1024xbf16>, vector<560x1024xf32> -> vector<560x1024xf32>
    %get3A_349 = arith.constant 0 : index
    %get3A_350 = arith.constant 0 : index
    %get3A_351 = vector.load %arg3[%get3A_349, %get3A_350] : memref<1x1024xf32, #tpu.memory_space<vmem>>, vector<1x1024xf32>
    %get3A_352 = vector.shape_cast %get3A_351 : vector<1x1024xf32> to vector<1024xf32>
    %broadcast_in_dim3A_353 = vector.shape_cast %get3A_352 : vector<1024xf32> to vector<1x1024xf32>
    %add3A_354 = vector.broadcast %broadcast_in_dim3A_353 : vector<1x1024xf32> to vector<560x1024xf32>
    %add3A_355 = arith.addf %dot_general3A_348, %add3A_354 : vector<560x1024xf32>
    %max3A_356 = arith.constant 0.000000e+00 : f32
    %max3A_357 = vector.broadcast %max3A_356 : f32 to vector<560x1024xf32>
    %max3A_358 = arith.maximumf %add3A_355, %max3A_357 : vector<560x1024xf32>
    %slice3A_359 = vector.extract_strided_slice %max3A_358 {offsets = [0, 0], sizes = [49, 1024], strides = [1, 1]} : vector<560x1024xf32> to vector<49x1024xf32>
    %slice3A_360 = vector.extract_strided_slice %slice3A_359 {offsets = [0, 0], sizes = [49, 128], strides = [1, 1]} : vector<49x1024xf32> to vector<49x128xf32>
    %slice3A_361 = vector.extract_strided_slice %slice3A_359 {offsets = [0, 128], sizes = [49, 128], strides = [1, 1]} : vector<49x1024xf32> to vector<49x128xf32>
    %slice3A_362 = vector.extract_strided_slice %slice3A_359 {offsets = [0, 256], sizes = [49, 128], strides = [1, 1]} : vector<49x1024xf32> to vector<49x128xf32>
    %slice3A_363 = vector.extract_strided_slice %slice3A_359 {offsets = [0, 384], sizes = [49, 128], strides = [1, 1]} : vector<49x1024xf32> to vector<49x128xf32>
    %slice3A_364 = vector.extract_strided_slice %slice3A_359 {offsets = [0, 512], sizes = [49, 128], strides = [1, 1]} : vector<49x1024xf32> to vector<49x128xf32>
    %slice3A_365 = vector.extract_strided_slice %slice3A_359 {offsets = [0, 640], sizes = [49, 128], strides = [1, 1]} : vector<49x1024xf32> to vector<49x128xf32>
    %slice3A_366 = vector.extract_strided_slice %slice3A_359 {offsets = [0, 768], sizes = [49, 128], strides = [1, 1]} : vector<49x1024xf32> to vector<49x128xf32>
    %slice3A_367 = vector.extract_strided_slice %slice3A_359 {offsets = [0, 896], sizes = [49, 128], strides = [1, 1]} : vector<49x1024xf32> to vector<49x128xf32>
    %concatenate3A_368 = tpu.concatenate %slice3A_360, %slice3A_361, %slice3A_362, %slice3A_363, %slice3A_364, %slice3A_365, %slice3A_366, %slice3A_367 in 0 : vector<49x128xf32>, vector<49x128xf32>, vector<49x128xf32>, vector<49x128xf32>, vector<49x128xf32>, vector<49x128xf32>, vector<49x128xf32>, vector<49x128xf32> -> vector<392x128xf32>
    %transpose3A_369 = tpu.transpose %concatenate3A_368, [1, 0] : vector<392x128xf32> -> vector<128x392xf32>
    %swap3A_370 = arith.constant 10 : index
    %swap3A_371 = arith.constant 0 : index
    %swap3A_372 = arith.constant 0 : index
    %swap3A_373 = vector.load %arg8[%swap3A_370, %swap3A_371, %swap3A_372] : memref<20x128x392xf32, #tpu.memory_space<vmem>>, vector<1x128x392xf32>
    %swap3A_374 = vector.shape_cast %swap3A_373 : vector<1x128x392xf32> to vector<128x392xf32>
    %swap3A_375 = vector.shape_cast %transpose3A_369 : vector<128x392xf32> to vector<1x128x392xf32>
    tpu.vector_store %arg8[%swap3A_370, %swap3A_371, %swap3A_372], %swap3A_375 {strides = array<i32>} : memref<20x128x392xf32, #tpu.memory_space<vmem>>, vector<1x128x392xf32>,
    %slice3A_376 = vector.extract_strided_slice %max3A_358 {offsets = [56, 0], sizes = [49, 1024], strides = [1, 1]} : vector<560x1024xf32> to vector<49x1024xf32>
    %slice3A_377 = vector.extract_strided_slice %slice3A_376 {offsets = [0, 0], sizes = [49, 128], strides = [1, 1]} : vector<49x1024xf32> to vector<49x128xf32>
    %slice3A_378 = vector.extract_strided_slice %slice3A_376 {offsets = [0, 128], sizes = [49, 128], strides = [1, 1]} : vector<49x1024xf32> to vector<49x128xf32>
    %slice3A_379 = vector.extract_strided_slice %slice3A_376 {offsets = [0, 256], sizes = [49, 128], strides = [1, 1]} : vector<49x1024xf32> to vector<49x128xf32>
    %slice3A_380 = vector.extract_strided_slice %slice3A_376 {offsets = [0, 384], sizes = [49, 128], strides = [1, 1]} : vector<49x1024xf32> to vector<49x128xf32>
    %slice3A_381 = vector.extract_strided_slice %slice3A_376 {offsets = [0, 512], sizes = [49, 128], strides = [1, 1]} : vector<49x1024xf32> to vector<49x128xf32>
    %slice3A_382 = vector.extract_strided_slice %slice3A_376 {offsets = [0, 640], sizes = [49, 128], strides = [1, 1]} : vector<49x1024xf32> to vector<49x128xf32>
    %slice3A_383 = vector.extract_strided_slice %slice3A_376 {offsets = [0, 768], sizes = [49, 128], strides = [1, 1]} : vector<49x1024xf32> to vector<49x128xf32>
    %slice3A_384 = vector.extract_strided_slice %slice3A_376 {offsets = [0, 896], sizes = [49, 128], strides = [1, 1]} : vector<49x1024xf32> to vector<49x128xf32>
    %concatenate3A_385 = tpu.concatenate %slice3A_377, %slice3A_378, %slice3A_379, %slice3A_380, %slice3A_381, %slice3A_382, %slice3A_383, %slice3A_384 in 0 : vector<49x128xf32>, vector<49x128xf32>, vector<49x128xf32>, vector<49x128xf32>, vector<49x128xf32>, vector<49x128xf32>, vector<49x128xf32>, vector<49x128xf32> -> vector<392x128xf32>
    %transpose3A_386 = tpu.transpose %concatenate3A_385, [1, 0] : vector<392x128xf32> -> vector<128x392xf32>
    %swap3A_387 = arith.constant 11 : index
    %swap3A_388 = arith.constant 0 : index
    %swap3A_389 = arith.constant 0 : index
    %swap3A_390 = vector.load %arg8[%swap3A_387, %swap3A_388, %swap3A_389] : memref<20x128x392xf32, #tpu.memory_space<vmem>>, vector<1x128x392xf32>
    %swap3A_391 = vector.shape_cast %swap3A_390 : vector<1x128x392xf32> to vector<128x392xf32>
    %swap3A_392 = vector.shape_cast %transpose3A_386 : vector<128x392xf32> to vector<1x128x392xf32>
    tpu.vector_store %arg8[%swap3A_387, %swap3A_388, %swap3A_389], %swap3A_392 {strides = array<i32>} : memref<20x128x392xf32, #tpu.memory_space<vmem>>, vector<1x128x392xf32>,
    %slice3A_393 = vector.extract_strided_slice %max3A_358 {offsets = [112, 0], sizes = [49, 1024], strides = [1, 1]} : vector<560x1024xf32> to vector<49x1024xf32>
    %slice3A_394 = vector.extract_strided_slice %slice3A_393 {offsets = [0, 0], sizes = [49, 128], strides = [1, 1]} : vector<49x1024xf32> to vector<49x128xf32>
    %slice3A_395 = vector.extract_strided_slice %slice3A_393 {offsets = [0, 128], sizes = [49, 128], strides = [1, 1]} : vector<49x1024xf32> to vector<49x128xf32>
    %slice3A_396 = vector.extract_strided_slice %slice3A_393 {offsets = [0, 256], sizes = [49, 128], strides = [1, 1]} : vector<49x1024xf32> to vector<49x128xf32>
    %slice3A_397 = vector.extract_strided_slice %slice3A_393 {offsets = [0, 384], sizes = [49, 128], strides = [1, 1]} : vector<49x1024xf32> to vector<49x128xf32>
    %slice3A_398 = vector.extract_strided_slice %slice3A_393 {offsets = [0, 512], sizes = [49, 128], strides = [1, 1]} : vector<49x1024xf32> to vector<49x128xf32>
    %slice3A_399 = vector.extract_strided_slice %slice3A_393 {offsets = [0, 640], sizes = [49, 128], strides = [1, 1]} : vector<49x1024xf32> to vector<49x128xf32>
    %slice3A_400 = vector.extract_strided_slice %slice3A_393 {offsets = [0, 768], sizes = [49, 128], strides = [1, 1]} : vector<49x1024xf32> to vector<49x128xf32>
    %slice3A_401 = vector.extract_strided_slice %slice3A_393 {offsets = [0, 896], sizes = [49, 128], strides = [1, 1]} : vector<49x1024xf32> to vector<49x128xf32>
    %concatenate3A_402 = tpu.concatenate %slice3A_394, %slice3A_395, %slice3A_396, %slice3A_397, %slice3A_398, %slice3A_399, %slice3A_400, %slice3A_401 in 0 : vector<49x128xf32>, vector<49x128xf32>, vector<49x128xf32>, vector<49x128xf32>, vector<49x128xf32>, vector<49x128xf32>, vector<49x128xf32>, vector<49x128xf32> -> vector<392x128xf32>
    %transpose3A_403 = tpu.transpose %concatenate3A_402, [1, 0] : vector<392x128xf32> -> vector<128x392xf32>
    %swap3A_404 = arith.constant 12 : index
    %swap3A_405 = arith.constant 0 : index
    %swap3A_406 = arith.constant 0 : index
    %swap3A_407 = vector.load %arg8[%swap3A_404, %swap3A_405, %swap3A_406] : memref<20x128x392xf32, #tpu.memory_space<vmem>>, vector<1x128x392xf32>
    %swap3A_408 = vector.shape_cast %swap3A_407 : vector<1x128x392xf32> to vector<128x392xf32>
    %swap3A_409 = vector.shape_cast %transpose3A_403 : vector<128x392xf32> to vector<1x128x392xf32>
    tpu.vector_store %arg8[%swap3A_404, %swap3A_405, %swap3A_406], %swap3A_409 {strides = array<i32>} : memref<20x128x392xf32, #tpu.memory_space<vmem>>, vector<1x128x392xf32>,
    %slice3A_410 = vector.extract_strided_slice %max3A_358 {offsets = [168, 0], sizes = [49, 1024], strides = [1, 1]} : vector<560x1024xf32> to vector<49x1024xf32>
    %slice3A_411 = vector.extract_strided_slice %slice3A_410 {offsets = [0, 0], sizes = [49, 128], strides = [1, 1]} : vector<49x1024xf32> to vector<49x128xf32>
    %slice3A_412 = vector.extract_strided_slice %slice3A_410 {offsets = [0, 128], sizes = [49, 128], strides = [1, 1]} : vector<49x1024xf32> to vector<49x128xf32>
    %slice3A_413 = vector.extract_strided_slice %slice3A_410 {offsets = [0, 256], sizes = [49, 128], strides = [1, 1]} : vector<49x1024xf32> to vector<49x128xf32>
    %slice3A_414 = vector.extract_strided_slice %slice3A_410 {offsets = [0, 384], sizes = [49, 128], strides = [1, 1]} : vector<49x1024xf32> to vector<49x128xf32>
    %slice3A_415 = vector.extract_strided_slice %slice3A_410 {offsets = [0, 512], sizes = [49, 128], strides = [1, 1]} : vector<49x1024xf32> to vector<49x128xf32>
    %slice3A_416 = vector.extract_strided_slice %slice3A_410 {offsets = [0, 640], sizes = [49, 128], strides = [1, 1]} : vector<49x1024xf32> to vector<49x128xf32>
    %slice3A_417 = vector.extract_strided_slice %slice3A_410 {offsets = [0, 768], sizes = [49, 128], strides = [1, 1]} : vector<49x1024xf32> to vector<49x128xf32>
    %slice3A_418 = vector.extract_strided_slice %slice3A_410 {offsets = [0, 896], sizes = [49, 128], strides = [1, 1]} : vector<49x1024xf32> to vector<49x128xf32>
    %concatenate3A_419 = tpu.concatenate %slice3A_411, %slice3A_412, %slice3A_413, %slice3A_414, %slice3A_415, %slice3A_416, %slice3A_417, %slice3A_418 in 0 : vector<49x128xf32>, vector<49x128xf32>, vector<49x128xf32>, vector<49x128xf32>, vector<49x128xf32>, vector<49x128xf32>, vector<49x128xf32>, vector<49x128xf32> -> vector<392x128xf32>
    %transpose3A_420 = tpu.transpose %concatenate3A_419, [1, 0] : vector<392x128xf32> -> vector<128x392xf32>
    %swap3A_421 = arith.constant 13 : index
    %swap3A_422 = arith.constant 0 : index
    %swap3A_423 = arith.constant 0 : index
    %swap3A_424 = vector.load %arg8[%swap3A_421, %swap3A_422, %swap3A_423] : memref<20x128x392xf32, #tpu.memory_space<vmem>>, vector<1x128x392xf32>
    %swap3A_425 = vector.shape_cast %swap3A_424 : vector<1x128x392xf32> to vector<128x392xf32>
    %swap3A_426 = vector.shape_cast %transpose3A_420 : vector<128x392xf32> to vector<1x128x392xf32>
    tpu.vector_store %arg8[%swap3A_421, %swap3A_422, %swap3A_423], %swap3A_426 {strides = array<i32>} : memref<20x128x392xf32, #tpu.memory_space<vmem>>, vector<1x128x392xf32>,
    %slice3A_427 = vector.extract_strided_slice %max3A_358 {offsets = [224, 0], sizes = [49, 1024], strides = [1, 1]} : vector<560x1024xf32> to vector<49x1024xf32>
    %slice3A_428 = vector.extract_strided_slice %slice3A_427 {offsets = [0, 0], sizes = [49, 128], strides = [1, 1]} : vector<49x1024xf32> to vector<49x128xf32>
    %slice3A_429 = vector.extract_strided_slice %slice3A_427 {offsets = [0, 128], sizes = [49, 128], strides = [1, 1]} : vector<49x1024xf32> to vector<49x128xf32>
    %slice3A_430 = vector.extract_strided_slice %slice3A_427 {offsets = [0, 256], sizes = [49, 128], strides = [1, 1]} : vector<49x1024xf32> to vector<49x128xf32>
    %slice3A_431 = vector.extract_strided_slice %slice3A_427 {offsets = [0, 384], sizes = [49, 128], strides = [1, 1]} : vector<49x1024xf32> to vector<49x128xf32>
    %slice3A_432 = vector.extract_strided_slice %slice3A_427 {offsets = [0, 512], sizes = [49, 128], strides = [1, 1]} : vector<49x1024xf32> to vector<49x128xf32>
    %slice3A_433 = vector.extract_strided_slice %slice3A_427 {offsets = [0, 640], sizes = [49, 128], strides = [1, 1]} : vector<49x1024xf32> to vector<49x128xf32>
    %slice3A_434 = vector.extract_strided_slice %slice3A_427 {offsets = [0, 768], sizes = [49, 128], strides = [1, 1]} : vector<49x1024xf32> to vector<49x128xf32>
    %slice3A_435 = vector.extract_strided_slice %slice3A_427 {offsets = [0, 896], sizes = [49, 128], strides = [1, 1]} : vector<49x1024xf32> to vector<49x128xf32>
    %concatenate3A_436 = tpu.concatenate %slice3A_428, %slice3A_429, %slice3A_430, %slice3A_431, %slice3A_432, %slice3A_433, %slice3A_434, %slice3A_435 in 0 : vector<49x128xf32>, vector<49x128xf32>, vector<49x128xf32>, vector<49x128xf32>, vector<49x128xf32>, vector<49x128xf32>, vector<49x128xf32>, vector<49x128xf32> -> vector<392x128xf32>
    %transpose3A_437 = tpu.transpose %concatenate3A_436, [1, 0] : vector<392x128xf32> -> vector<128x392xf32>
    %swap3A_438 = arith.constant 14 : index
    %swap3A_439 = arith.constant 0 : index
    %swap3A_440 = arith.constant 0 : index
    %swap3A_441 = vector.load %arg8[%swap3A_438, %swap3A_439, %swap3A_440] : memref<20x128x392xf32, #tpu.memory_space<vmem>>, vector<1x128x392xf32>
    %swap3A_442 = vector.shape_cast %swap3A_441 : vector<1x128x392xf32> to vector<128x392xf32>
    %swap3A_443 = vector.shape_cast %transpose3A_437 : vector<128x392xf32> to vector<1x128x392xf32>
    tpu.vector_store %arg8[%swap3A_438, %swap3A_439, %swap3A_440], %swap3A_443 {strides = array<i32>} : memref<20x128x392xf32, #tpu.memory_space<vmem>>, vector<1x128x392xf32>,
    %slice3A_444 = vector.extract_strided_slice %max3A_358 {offsets = [280, 0], sizes = [49, 1024], strides = [1, 1]} : vector<560x1024xf32> to vector<49x1024xf32>
    %slice3A_445 = vector.extract_strided_slice %slice3A_444 {offsets = [0, 0], sizes = [49, 128], strides = [1, 1]} : vector<49x1024xf32> to vector<49x128xf32>
    %slice3A_446 = vector.extract_strided_slice %slice3A_444 {offsets = [0, 128], sizes = [49, 128], strides = [1, 1]} : vector<49x1024xf32> to vector<49x128xf32>
    %slice3A_447 = vector.extract_strided_slice %slice3A_444 {offsets = [0, 256], sizes = [49, 128], strides = [1, 1]} : vector<49x1024xf32> to vector<49x128xf32>
    %slice3A_448 = vector.extract_strided_slice %slice3A_444 {offsets = [0, 384], sizes = [49, 128], strides = [1, 1]} : vector<49x1024xf32> to vector<49x128xf32>
    %slice3A_449 = vector.extract_strided_slice %slice3A_444 {offsets = [0, 512], sizes = [49, 128], strides = [1, 1]} : vector<49x1024xf32> to vector<49x128xf32>
    %slice3A_450 = vector.extract_strided_slice %slice3A_444 {offsets = [0, 640], sizes = [49, 128], strides = [1, 1]} : vector<49x1024xf32> to vector<49x128xf32>
    %slice3A_451 = vector.extract_strided_slice %slice3A_444 {offsets = [0, 768], sizes = [49, 128], strides = [1, 1]} : vector<49x1024xf32> to vector<49x128xf32>
    %slice3A_452 = vector.extract_strided_slice %slice3A_444 {offsets = [0, 896], sizes = [49, 128], strides = [1, 1]} : vector<49x1024xf32> to vector<49x128xf32>
    %concatenate3A_453 = tpu.concatenate %slice3A_445, %slice3A_446, %slice3A_447, %slice3A_448, %slice3A_449, %slice3A_450, %slice3A_451, %slice3A_452 in 0 : vector<49x128xf32>, vector<49x128xf32>, vector<49x128xf32>, vector<49x128xf32>, vector<49x128xf32>, vector<49x128xf32>, vector<49x128xf32>, vector<49x128xf32> -> vector<392x128xf32>
    %transpose3A_454 = tpu.transpose %concatenate3A_453, [1, 0] : vector<392x128xf32> -> vector<128x392xf32>
    %swap3A_455 = arith.constant 15 : index
    %swap3A_456 = arith.constant 0 : index
    %swap3A_457 = arith.constant 0 : index
    %swap3A_458 = vector.load %arg8[%swap3A_455, %swap3A_456, %swap3A_457] : memref<20x128x392xf32, #tpu.memory_space<vmem>>, vector<1x128x392xf32>
    %swap3A_459 = vector.shape_cast %swap3A_458 : vector<1x128x392xf32> to vector<128x392xf32>
    %swap3A_460 = vector.shape_cast %transpose3A_454 : vector<128x392xf32> to vector<1x128x392xf32>
    tpu.vector_store %arg8[%swap3A_455, %swap3A_456, %swap3A_457], %swap3A_460 {strides = array<i32>} : memref<20x128x392xf32, #tpu.memory_space<vmem>>, vector<1x128x392xf32>,
    %slice3A_461 = vector.extract_strided_slice %max3A_358 {offsets = [336, 0], sizes = [49, 1024], strides = [1, 1]} : vector<560x1024xf32> to vector<49x1024xf32>
    %slice3A_462 = vector.extract_strided_slice %slice3A_461 {offsets = [0, 0], sizes = [49, 128], strides = [1, 1]} : vector<49x1024xf32> to vector<49x128xf32>
    %slice3A_463 = vector.extract_strided_slice %slice3A_461 {offsets = [0, 128], sizes = [49, 128], strides = [1, 1]} : vector<49x1024xf32> to vector<49x128xf32>
    %slice3A_464 = vector.extract_strided_slice %slice3A_461 {offsets = [0, 256], sizes = [49, 128], strides = [1, 1]} : vector<49x1024xf32> to vector<49x128xf32>
    %slice3A_465 = vector.extract_strided_slice %slice3A_461 {offsets = [0, 384], sizes = [49, 128], strides = [1, 1]} : vector<49x1024xf32> to vector<49x128xf32>
    %slice3A_466 = vector.extract_strided_slice %slice3A_461 {offsets = [0, 512], sizes = [49, 128], strides = [1, 1]} : vector<49x1024xf32> to vector<49x128xf32>
    %slice3A_467 = vector.extract_strided_slice %slice3A_461 {offsets = [0, 640], sizes = [49, 128], strides = [1, 1]} : vector<49x1024xf32> to vector<49x128xf32>
    %slice3A_468 = vector.extract_strided_slice %slice3A_461 {offsets = [0, 768], sizes = [49, 128], strides = [1, 1]} : vector<49x1024xf32> to vector<49x128xf32>
    %slice3A_469 = vector.extract_strided_slice %slice3A_461 {offsets = [0, 896], sizes = [49, 128], strides = [1, 1]} : vector<49x1024xf32> to vector<49x128xf32>
    %concatenate3A_470 = tpu.concatenate %slice3A_462, %slice3A_463, %slice3A_464, %slice3A_465, %slice3A_466, %slice3A_467, %slice3A_468, %slice3A_469 in 0 : vector<49x128xf32>, vector<49x128xf32>, vector<49x128xf32>, vector<49x128xf32>, vector<49x128xf32>, vector<49x128xf32>, vector<49x128xf32>, vector<49x128xf32> -> vector<392x128xf32>
    %transpose3A_471 = tpu.transpose %concatenate3A_470, [1, 0] : vector<392x128xf32> -> vector<128x392xf32>
    %swap3A_472 = arith.constant 16 : index
    %swap3A_473 = arith.constant 0 : index
    %swap3A_474 = arith.constant 0 : index
    %swap3A_475 = vector.load %arg8[%swap3A_472, %swap3A_473, %swap3A_474] : memref<20x128x392xf32, #tpu.memory_space<vmem>>, vector<1x128x392xf32>
    %swap3A_476 = vector.shape_cast %swap3A_475 : vector<1x128x392xf32> to vector<128x392xf32>
    %swap3A_477 = vector.shape_cast %transpose3A_471 : vector<128x392xf32> to vector<1x128x392xf32>
    tpu.vector_store %arg8[%swap3A_472, %swap3A_473, %swap3A_474], %swap3A_477 {strides = array<i32>} : memref<20x128x392xf32, #tpu.memory_space<vmem>>, vector<1x128x392xf32>,
    %slice3A_478 = vector.extract_strided_slice %max3A_358 {offsets = [392, 0], sizes = [49, 1024], strides = [1, 1]} : vector<560x1024xf32> to vector<49x1024xf32>
    %slice3A_479 = vector.extract_strided_slice %slice3A_478 {offsets = [0, 0], sizes = [49, 128], strides = [1, 1]} : vector<49x1024xf32> to vector<49x128xf32>
    %slice3A_480 = vector.extract_strided_slice %slice3A_478 {offsets = [0, 128], sizes = [49, 128], strides = [1, 1]} : vector<49x1024xf32> to vector<49x128xf32>
    %slice3A_481 = vector.extract_strided_slice %slice3A_478 {offsets = [0, 256], sizes = [49, 128], strides = [1, 1]} : vector<49x1024xf32> to vector<49x128xf32>
    %slice3A_482 = vector.extract_strided_slice %slice3A_478 {offsets = [0, 384], sizes = [49, 128], strides = [1, 1]} : vector<49x1024xf32> to vector<49x128xf32>
    %slice3A_483 = vector.extract_strided_slice %slice3A_478 {offsets = [0, 512], sizes = [49, 128], strides = [1, 1]} : vector<49x1024xf32> to vector<49x128xf32>
    %slice3A_484 = vector.extract_strided_slice %slice3A_478 {offsets = [0, 640], sizes = [49, 128], strides = [1, 1]} : vector<49x1024xf32> to vector<49x128xf32>
    %slice3A_485 = vector.extract_strided_slice %slice3A_478 {offsets = [0, 768], sizes = [49, 128], strides = [1, 1]} : vector<49x1024xf32> to vector<49x128xf32>
    %slice3A_486 = vector.extract_strided_slice %slice3A_478 {offsets = [0, 896], sizes = [49, 128], strides = [1, 1]} : vector<49x1024xf32> to vector<49x128xf32>
    %concatenate3A_487 = tpu.concatenate %slice3A_479, %slice3A_480, %slice3A_481, %slice3A_482, %slice3A_483, %slice3A_484, %slice3A_485, %slice3A_486 in 0 : vector<49x128xf32>, vector<49x128xf32>, vector<49x128xf32>, vector<49x128xf32>, vector<49x128xf32>, vector<49x128xf32>, vector<49x128xf32>, vector<49x128xf32> -> vector<392x128xf32>
    %transpose3A_488 = tpu.transpose %concatenate3A_487, [1, 0] : vector<392x128xf32> -> vector<128x392xf32>
    %swap3A_489 = arith.constant 17 : index
    %swap3A_490 = arith.constant 0 : index
    %swap3A_491 = arith.constant 0 : index
    %swap3A_492 = vector.load %arg8[%swap3A_489, %swap3A_490, %swap3A_491] : memref<20x128x392xf32, #tpu.memory_space<vmem>>, vector<1x128x392xf32>
    %swap3A_493 = vector.shape_cast %swap3A_492 : vector<1x128x392xf32> to vector<128x392xf32>
    %swap3A_494 = vector.shape_cast %transpose3A_488 : vector<128x392xf32> to vector<1x128x392xf32>
    tpu.vector_store %arg8[%swap3A_489, %swap3A_490, %swap3A_491], %swap3A_494 {strides = array<i32>} : memref<20x128x392xf32, #tpu.memory_space<vmem>>, vector<1x128x392xf32>,
    %slice3A_495 = vector.extract_strided_slice %max3A_358 {offsets = [448, 0], sizes = [49, 1024], strides = [1, 1]} : vector<560x1024xf32> to vector<49x1024xf32>
    %slice3A_496 = vector.extract_strided_slice %slice3A_495 {offsets = [0, 0], sizes = [49, 128], strides = [1, 1]} : vector<49x1024xf32> to vector<49x128xf32>
    %slice3A_497 = vector.extract_strided_slice %slice3A_495 {offsets = [0, 128], sizes = [49, 128], strides = [1, 1]} : vector<49x1024xf32> to vector<49x128xf32>
    %slice3A_498 = vector.extract_strided_slice %slice3A_495 {offsets = [0, 256], sizes = [49, 128], strides = [1, 1]} : vector<49x1024xf32> to vector<49x128xf32>
    %slice3A_499 = vector.extract_strided_slice %slice3A_495 {offsets = [0, 384], sizes = [49, 128], strides = [1, 1]} : vector<49x1024xf32> to vector<49x128xf32>
    %slice3A_500 = vector.extract_strided_slice %slice3A_495 {offsets = [0, 512], sizes = [49, 128], strides = [1, 1]} : vector<49x1024xf32> to vector<49x128xf32>
    %slice3A_501 = vector.extract_strided_slice %slice3A_495 {offsets = [0, 640], sizes = [49, 128], strides = [1, 1]} : vector<49x1024xf32> to vector<49x128xf32>
    %slice3A_502 = vector.extract_strided_slice %slice3A_495 {offsets = [0, 768], sizes = [49, 128], strides = [1, 1]} : vector<49x1024xf32> to vector<49x128xf32>
    %slice3A_503 = vector.extract_strided_slice %slice3A_495 {offsets = [0, 896], sizes = [49, 128], strides = [1, 1]} : vector<49x1024xf32> to vector<49x128xf32>
    %concatenate3A_504 = tpu.concatenate %slice3A_496, %slice3A_497, %slice3A_498, %slice3A_499, %slice3A_500, %slice3A_501, %slice3A_502, %slice3A_503 in 0 : vector<49x128xf32>, vector<49x128xf32>, vector<49x128xf32>, vector<49x128xf32>, vector<49x128xf32>, vector<49x128xf32>, vector<49x128xf32>, vector<49x128xf32> -> vector<392x128xf32>
    %transpose3A_505 = tpu.transpose %concatenate3A_504, [1, 0] : vector<392x128xf32> -> vector<128x392xf32>
    %swap3A_506 = arith.constant 18 : index
    %swap3A_507 = arith.constant 0 : index
    %swap3A_508 = arith.constant 0 : index
    %swap3A_509 = vector.load %arg8[%swap3A_506, %swap3A_507, %swap3A_508] : memref<20x128x392xf32, #tpu.memory_space<vmem>>, vector<1x128x392xf32>
    %swap3A_510 = vector.shape_cast %swap3A_509 : vector<1x128x392xf32> to vector<128x392xf32>
    %swap3A_511 = vector.shape_cast %transpose3A_505 : vector<128x392xf32> to vector<1x128x392xf32>
    tpu.vector_store %arg8[%swap3A_506, %swap3A_507, %swap3A_508], %swap3A_511 {strides = array<i32>} : memref<20x128x392xf32, #tpu.memory_space<vmem>>, vector<1x128x392xf32>,
    %slice3A_512 = vector.extract_strided_slice %max3A_358 {offsets = [504, 0], sizes = [49, 1024], strides = [1, 1]} : vector<560x1024xf32> to vector<49x1024xf32>
    %slice3A_513 = vector.extract_strided_slice %slice3A_512 {offsets = [0, 0], sizes = [49, 128], strides = [1, 1]} : vector<49x1024xf32> to vector<49x128xf32>
    %slice3A_514 = vector.extract_strided_slice %slice3A_512 {offsets = [0, 128], sizes = [49, 128], strides = [1, 1]} : vector<49x1024xf32> to vector<49x128xf32>
    %slice3A_515 = vector.extract_strided_slice %slice3A_512 {offsets = [0, 256], sizes = [49, 128], strides = [1, 1]} : vector<49x1024xf32> to vector<49x128xf32>
    %slice3A_516 = vector.extract_strided_slice %slice3A_512 {offsets = [0, 384], sizes = [49, 128], strides = [1, 1]} : vector<49x1024xf32> to vector<49x128xf32>
    %slice3A_517 = vector.extract_strided_slice %slice3A_512 {offsets = [0, 512], sizes = [49, 128], strides = [1, 1]} : vector<49x1024xf32> to vector<49x128xf32>
    %slice3A_518 = vector.extract_strided_slice %slice3A_512 {offsets = [0, 640], sizes = [49, 128], strides = [1, 1]} : vector<49x1024xf32> to vector<49x128xf32>
    %slice3A_519 = vector.extract_strided_slice %slice3A_512 {offsets = [0, 768], sizes = [49, 128], strides = [1, 1]} : vector<49x1024xf32> to vector<49x128xf32>
    %slice3A_520 = vector.extract_strided_slice %slice3A_512 {offsets = [0, 896], sizes = [49, 128], strides = [1, 1]} : vector<49x1024xf32> to vector<49x128xf32>
    %concatenate3A_521 = tpu.concatenate %slice3A_513, %slice3A_514, %slice3A_515, %slice3A_516, %slice3A_517, %slice3A_518, %slice3A_519, %slice3A_520 in 0 : vector<49x128xf32>, vector<49x128xf32>, vector<49x128xf32>, vector<49x128xf32>, vector<49x128xf32>, vector<49x128xf32>, vector<49x128xf32>, vector<49x128xf32> -> vector<392x128xf32>
    %transpose3A_522 = tpu.transpose %concatenate3A_521, [1, 0] : vector<392x128xf32> -> vector<128x392xf32>
    %swap3A_523 = arith.constant 19 : index
    %swap3A_524 = arith.constant 0 : index
    %swap3A_525 = arith.constant 0 : index
    %swap3A_526 = vector.load %arg8[%swap3A_523, %swap3A_524, %swap3A_525] : memref<20x128x392xf32, #tpu.memory_space<vmem>>, vector<1x128x392xf32>
    %swap3A_527 = vector.shape_cast %swap3A_526 : vector<1x128x392xf32> to vector<128x392xf32>
    %swap3A_528 = vector.shape_cast %transpose3A_522 : vector<128x392xf32> to vector<1x128x392xf32>
    tpu.vector_store %arg8[%swap3A_523, %swap3A_524, %swap3A_525], %swap3A_528 {strides = array<i32>} : memref<20x128x392xf32, #tpu.memory_space<vmem>>, vector<1x128x392xf32>,
    %dot_general3A_529 = arith.constant dense<0.000000e+00> : vector<10x1024xf32>
    %dot_general3A_530 = tpu.matmul %select_n3A_139, %max3A_358, %dot_general3A_529 {dimension_numbers = #tpu.dot_dimension_numbers<[1], [0], [0], [1], [0, 0, 1, 1], [], []>, transpose_lhs_hint = false} : vector<10x560xf32>, vector<560x1024xf32>, vector<10x1024xf32> -> vector<10x1024xf32>
    %concatenate3A_531 = tpu.concatenate %dot_general3A_333, %dot_general3A_530 in 0 : vector<10x1024xf32>, vector<10x1024xf32> -> vector<20x1024xf32>
    %get3A_532 = arith.constant 0 : index
    %get3A_533 = arith.constant 0 : index
    %get3A_534 = vector.load %arg4[%get3A_532, %get3A_533] : memref<1024x105xf32, #tpu.memory_space<vmem>>, vector<1024x105xf32>
    %dot_general3A_535 = arith.constant dense<0.000000e+00> : vector<20x105xf32>
    %dot_general3A_536 = tpu.matmul %concatenate3A_531, %get3A_534, %dot_general3A_535 {dimension_numbers = #tpu.dot_dimension_numbers<[1], [0], [0], [1], [0, 0, 1, 1], [], []>, transpose_lhs_hint = false} : vector<20x1024xf32>, vector<1024x105xf32>, vector<20x105xf32> -> vector<20x105xf32>
    %get3A_537 = arith.constant 0 : index
    %get3A_538 = arith.constant 0 : index
    %get3A_539 = vector.load %arg5[%get3A_537, %get3A_538] : memref<1x105xf32, #tpu.memory_space<vmem>>, vector<1x105xf32>
    %get3A_540 = vector.shape_cast %get3A_539 : vector<1x105xf32> to vector<105xf32>
    %broadcast_in_dim3A_541 = vector.shape_cast %get3A_540 : vector<105xf32> to vector<1x105xf32>
    %add3A_542 = vector.broadcast %broadcast_in_dim3A_541 : vector<1x105xf32> to vector<20x105xf32>
    %add3A_543 = arith.addf %dot_general3A_536, %add3A_542 : vector<20x105xf32>
    %slice3A_544 = vector.extract_strided_slice %add3A_543 {offsets = [0, 0], sizes = [20, 21], strides = [1, 1]} : vector<20x105xf32> to vector<20x21xf32>
    %slice3A_545 = vector.extract_strided_slice %add3A_543 {offsets = [0, 21], sizes = [20, 84], strides = [1, 1]} : vector<20x105xf32> to vector<20x84xf32>
    %swap3A_546 = arith.constant 0 : index
    %swap3A_547 = arith.constant 0 : index
    %swap3A_548 = arith.constant 0 : index
    %swap3A_549 = vector.load %arg9[%swap3A_546, %swap3A_547, %swap3A_548] : memref<1x20x21xf32, #tpu.memory_space<vmem>>, vector<1x20x21xf32>
    %swap3A_550 = vector.shape_cast %swap3A_549 : vector<1x20x21xf32> to vector<20x21xf32>
    %swap3A_551 = vector.shape_cast %slice3A_544 : vector<20x21xf32> to vector<1x20x21xf32>
    tpu.vector_store %arg9[%swap3A_546, %swap3A_547, %swap3A_548], %swap3A_551 {strides = array<i32>} : memref<1x20x21xf32, #tpu.memory_space<vmem>>, vector<1x20x21xf32>,
    %swap3A_552 = arith.constant 0 : index
    %swap3A_553 = arith.constant 0 : index
    %swap3A_554 = arith.constant 0 : index
    %swap3A_555 = vector.load %arg10[%swap3A_552, %swap3A_553, %swap3A_554] : memref<1x20x84xf32, #tpu.memory_space<vmem>>, vector<1x20x84xf32>
    %swap3A_556 = vector.shape_cast %swap3A_555 : vector<1x20x84xf32> to vector<20x84xf32>
    %swap3A_557 = vector.shape_cast %slice3A_545 : vector<20x84xf32> to vector<1x20x84xf32>
    tpu.vector_store %arg10[%swap3A_552, %swap3A_553, %swap3A_554], %swap3A_557 {strides = array<i32>} : memref<1x20x84xf32, #tpu.memory_space<vmem>>, vector<1x20x84xf32>,
    %get3A_558 = arith.constant 0 : index
    %get3A_559 = arith.constant 0 : index
    %get3A_560 = arith.constant 0 : index
    %get3A_561 = vector.load %arg6[%get3A_558, %get3A_559, %get3A_560] : memref<1x1x20xi32, #tpu.memory_space<vmem>>, vector<1x1x20xi32>
    %get3A_562 = vector.shape_cast %get3A_561 : vector<1x1x20xi32> to vector<20xi32>
    %reduce_max3A = arith.constant dense<0xFF800000> : vector<20xf32>
    %reduce_max3A_563 = vector.multi_reduction <maximumf>, %slice3A_544, %reduce_max3A [1] : vector<20x21xf32> to vector<20xf32>
    %broadcast_in_dim3A_564 = vector.shape_cast %reduce_max3A_563 : vector<20xf32> to vector<20x1xf32>
    %sub3A_565 = vector.broadcast %broadcast_in_dim3A_564 : vector<20x1xf32> to vector<20x21xf32>
    %sub3A_566 = arith.subf %slice3A_544, %sub3A_565 : vector<20x21xf32>
    %exp3A = math.exp %sub3A_566 : vector<20x21xf32>
    %reduce_sum3A = arith.constant dense<0.000000e+00> : vector<20xf32>
    %reduce_sum3A_567 = vector.multi_reduction <add>, %exp3A, %reduce_sum3A [1] : vector<20x21xf32> to vector<20xf32>
    %broadcast_in_dim3A_568 = vector.shape_cast %reduce_sum3A_567 : vector<20xf32> to vector<20x1xf32>
    %log3A = math.log %broadcast_in_dim3A_568 : vector<20x1xf32>
    %add3A_569 = arith.addf %log3A, %broadcast_in_dim3A_564 : vector<20x1xf32>
    %iota3A_570 = tpu.iota {dimensions = array<i32: 1>} : vector<20x21xi32>
    %broadcast_in_dim3A_571 = vector.shape_cast %get3A_562 : vector<20xi32> to vector<20x1xi32>
    %eq3A_572 = vector.broadcast %broadcast_in_dim3A_571 : vector<20x1xi32> to vector<20x21xi32>
    %eq3A_573 = arith.cmpi eq, %iota3A_570, %eq3A_572 : vector<20x21xi32>
    %jit3A_574 = arith.constant 0.000000e+00 : f32
    %broadcast_in_dim3A_575 = vector.broadcast %jit3A_574 : f32 to vector<20x21xf32>
    %select_n3A_576 = arith.select %eq3A_573, %slice3A_544, %broadcast_in_dim3A_575 : vector<20x21xi1>, vector<20x21xf32>
    %reduce_sum3A_577 = arith.constant dense<0.000000e+00> : vector<20xf32>
    %reduce_sum3A_578 = vector.multi_reduction <add>, %select_n3A_576, %reduce_sum3A_577 [1] : vector<20x21xf32> to vector<20xf32>
    %broadcast_in_dim3A_579 = vector.shape_cast %reduce_sum3A_578 : vector<20xf32> to vector<20x1xf32>
    %sub3A_580 = arith.subf %add3A_569, %broadcast_in_dim3A_579 : vector<20x1xf32>
    %reduce_sum3A_581 = vector.shape_cast %sub3A_580 : vector<20x1xf32> to vector<1x20x1xf32>
    %reduce_sum3A_582 = arith.constant dense<0.000000e+00> : vector<1xf32>
    %reduce_sum3A_583 = vector.multi_reduction <add>, %reduce_sum3A_581, %reduce_sum3A_582 [1, 2] : vector<1x20x1xf32> to vector<1xf32>
    %reduce_sum3A_584 = vector.shape_cast %reduce_sum3A_583 : vector<1xf32> to vector<1x1x1xf32>
    %reduce_sum3A_585 = vector.extract %reduce_sum3A_584[0, 0, 0] : f32 from vector<1x1x1xf32>
    %reshape3A_586 = vector.broadcast %reduce_sum3A_585 : f32 to vector<1x1xf32>
    %iota3A_587 = tpu.iota {dimensions = array<i32: 1>} : vector<20x84xi32>
    %jit3A_588 = arith.constant 4 : i32
    %div3A_589 = vector.broadcast %jit3A_588 : i32 to vector<20x84xi32>
    %div3A_590 = arith.divsi %iota3A_587, %div3A_589 : vector<20x84xi32>
    %sign3A_591 = arith.constant 0 : i32
    %sign3A_592 = vector.broadcast %sign3A_591 : i32 to vector<20x84xi32>
    %sign3A_593 = arith.cmpi sgt, %iota3A_587, %sign3A_592 : vector<20x84xi32>
    %sign3A_594 = arith.extui %sign3A_593 : vector<20x84xi1> to vector<20x84xi32>
    %sign3A_595 = arith.constant 0 : i32
    %sign3A_596 = vector.broadcast %sign3A_595 : i32 to vector<20x84xi32>
    %sign3A_597 = arith.cmpi slt, %iota3A_587, %sign3A_596 : vector<20x84xi32>
    %sign3A_598 = arith.extui %sign3A_597 : vector<20x84xi1> to vector<20x84xi32>
    %sign3A_599 = arith.subi %sign3A_594, %sign3A_598 : vector<20x84xi32>
    %sign3A_600 = arith.constant 0 : i32
    %sign3A_601 = arith.cmpi sgt, %jit3A_588, %sign3A_600 : i32
    %sign3A_602 = arith.extui %sign3A_601 : i1 to i32
    %sign3A_603 = arith.constant 0 : i32
    %sign3A_604 = arith.cmpi slt, %jit3A_588, %sign3A_603 : i32
    %sign3A_605 = arith.extui %sign3A_604 : i1 to i32
    %sign3A_606 = arith.subi %sign3A_602, %sign3A_605 : i32
    %ne3A_607 = vector.broadcast %sign3A_606 : i32 to vector<20x84xi32>
    %ne3A_608 = arith.cmpi ne, %sign3A_599, %ne3A_607 : vector<20x84xi32>
    %rem3A_609 = vector.broadcast %jit3A_588 : i32 to vector<20x84xi32>
    %rem3A_610 = arith.remsi %iota3A_587, %rem3A_609 : vector<20x84xi32>
    %ne3A_611 = arith.constant 0 : i32
    %ne3A_612 = vector.broadcast %ne3A_611 : i32 to vector<20x84xi32>
    %ne3A_613 = arith.cmpi ne, %rem3A_610, %ne3A_612 : vector<20x84xi32>
    %and3A_614 = arith.andi %ne3A_608, %ne3A_613 : vector<20x84xi1>
    %sub3A_615 = arith.constant 1 : i32
    %sub3A_616 = vector.broadcast %sub3A_615 : i32 to vector<20x84xi32>
    %sub3A_617 = arith.subi %div3A_590, %sub3A_616 : vector<20x84xi32>
    %select_n3A_618 = arith.select %and3A_614, %sub3A_617, %div3A_590 : vector<20x84xi1>, vector<20x84xi32>
    %gt3A = arith.constant 0 : i32
    %gt3A_619 = vector.broadcast %gt3A : i32 to vector<20xi32>
    %gt3A_620 = arith.cmpi sgt, %get3A_562, %gt3A_619 : vector<20xi32>
    %convert_element_type3A_621 = arith.extui %gt3A_620 : vector<20xi1> to vector<20xi32>
    %convert_element_type3A_622 = arith.sitofp %convert_element_type3A_621 : vector<20xi32> to vector<20xf32>
    %broadcast_in_dim3A_623 = vector.shape_cast %get3A_562 : vector<20xi32> to vector<20x1xi32>
    %eq3A_624 = vector.broadcast %broadcast_in_dim3A_623 : vector<20x1xi32> to vector<20x84xi32>
    %eq3A_625 = arith.cmpi eq, %select_n3A_618, %eq3A_624 : vector<20x84xi32>
    %jit3A_626 = arith.constant 4 : i32
    %eq3A_627 = arith.constant 0 : i32
    %eq3A_628 = arith.cmpi eq, %jit3A_626, %eq3A_627 : i32
    %jit3A_629 = arith.constant 1 : i32
    %select_n3A_630 = arith.select %eq3A_628, %jit3A_629, %jit3A_626 : i32
    %rem3A_631 = vector.broadcast %select_n3A_630 : i32 to vector<20x84xi32>
    %rem3A_632 = arith.remsi %iota3A_587, %rem3A_631 : vector<20x84xi32>
    %ne3A_633 = arith.constant 0 : i32
    %ne3A_634 = vector.broadcast %ne3A_633 : i32 to vector<20x84xi32>
    %ne3A_635 = arith.cmpi ne, %rem3A_632, %ne3A_634 : vector<20x84xi32>
    %lt3A_636 = arith.constant 0 : i32
    %lt3A_637 = vector.broadcast %lt3A_636 : i32 to vector<20x84xi32>
    %lt3A_638 = arith.cmpi slt, %rem3A_632, %lt3A_637 : vector<20x84xi32>
    %lt3A_639 = arith.constant 0 : i32
    %lt3A_640 = arith.cmpi slt, %select_n3A_630, %lt3A_639 : i32
    %ne3A_641 = vector.broadcast %lt3A_640 : i1 to vector<20x84xi1>
    %ne3A_642 = vector.broadcast %ne3A_641 : vector<20x84xi1> to vector<20x84xi1>
    %ne3A_643 = arith.xori %lt3A_638, %ne3A_642 : vector<20x84xi1>
    %and3A_644 = arith.andi %ne3A_643, %ne3A_635 : vector<20x84xi1>
    %add3A_645 = vector.broadcast %select_n3A_630 : i32 to vector<20x84xi32>
    %add3A_646 = arith.addi %rem3A_632, %add3A_645 : vector<20x84xi32>
    %select_n3A_647 = arith.select %and3A_644, %add3A_646, %rem3A_632 : vector<20x84xi1>, vector<20x84xi32>
    %eq3A_648 = arith.constant 0 : i32
    %eq3A_649 = vector.broadcast %eq3A_648 : i32 to vector<20x84xi32>
    %eq3A_650 = arith.cmpi eq, %select_n3A_647, %eq3A_649 : vector<20x84xi32>
    %and3A_651 = arith.andi %eq3A_625, %eq3A_650 : vector<20x84xi1>
    %jit3A_652 = arith.constant 0.000000e+00 : f32
    %broadcast_in_dim3A_653 = vector.broadcast %jit3A_652 : f32 to vector<20x84xf32>
    %select_n3A_654 = arith.select %and3A_651, %slice3A_545, %broadcast_in_dim3A_653 : vector<20x84xi1>, vector<20x84xf32>
    %reduce_sum3A_655 = arith.constant dense<0.000000e+00> : vector<20xf32>
    %reduce_sum3A_656 = vector.multi_reduction <add>, %select_n3A_654, %reduce_sum3A_655 [1] : vector<20x84xf32> to vector<20xf32>
    %get3A_657 = arith.constant 0 : index
    %get3A_658 = arith.constant 0 : index
    %get3A_659 = arith.constant 0 : index
    %get3A_660 = vector.load %arg7[%get3A_657, %get3A_658, %get3A_659] : memref<1x20x4xf32, #tpu.memory_space<vmem>>, vector<1x20x1xf32>
    %get3A_661 = vector.shape_cast %get3A_660 : vector<1x20x1xf32> to vector<20xf32>
    %sub3A_662 = arith.subf %reduce_sum3A_656, %get3A_661 : vector<20xf32>
    %abs3A = math.absf %sub3A_662 : vector<20xf32>
    %lt3A_663 = arith.constant 0.111111112 : f32
    %lt3A_664 = vector.broadcast %lt3A_663 : f32 to vector<20xf32>
    %lt3A_665 = arith.cmpf olt, %abs3A, %lt3A_664 : vector<20xf32>
    %mul3A = arith.constant 5.000000e-01 : f32
    %mul3A_666 = vector.broadcast %mul3A : f32 to vector<20xf32>
    %mul3A_667 = arith.mulf %mul3A_666, %sub3A_662 : vector<20xf32>
    %mul3A_668 = arith.mulf %mul3A_667, %sub3A_662 : vector<20xf32>
    %div3A_669 = arith.constant 0.111111112 : f32
    %div3A_670 = vector.broadcast %div3A_669 : f32 to vector<20xf32>
    %div3A_671 = arith.divf %mul3A_668, %div3A_670 : vector<20xf32>
    %sub3A_672 = arith.constant 0.055555556 : f32
    %sub3A_673 = vector.broadcast %sub3A_672 : f32 to vector<20xf32>
    %sub3A_674 = arith.subf %abs3A, %sub3A_673 : vector<20xf32>
    %select_n3A_675 = arith.select %lt3A_665, %div3A_671, %sub3A_674 : vector<20xi1>, vector<20xf32>
    %mul3A_676 = arith.mulf %select_n3A_675, %convert_element_type3A_622 : vector<20xf32>
    %reduce_sum3A_677 = vector.shape_cast %mul3A_676 : vector<20xf32> to vector<1x20xf32>
    %reduce_sum3A_678 = arith.constant dense<0.000000e+00> : vector<1xf32>
    %reduce_sum3A_679 = vector.multi_reduction <add>, %reduce_sum3A_677, %reduce_sum3A_678 [1] : vector<1x20xf32> to vector<1xf32>
    %reduce_sum3A_680 = vector.shape_cast %reduce_sum3A_679 : vector<1xf32> to vector<1x1xf32>
    %reduce_sum3A_681 = vector.extract %reduce_sum3A_680[0, 0] : f32 from vector<1x1xf32>
    %add3A_682 = arith.constant 0.000000e+00 : f32
    %add3A_683 = arith.addf %add3A_682, %reduce_sum3A_681 : f32
    %broadcast_in_dim3A_684 = vector.shape_cast %get3A_562 : vector<20xi32> to vector<20x1xi32>
    %eq3A_685 = vector.broadcast %broadcast_in_dim3A_684 : vector<20x1xi32> to vector<20x84xi32>
    %eq3A_686 = arith.cmpi eq, %select_n3A_618, %eq3A_685 : vector<20x84xi32>
    %jit3A_687 = arith.constant 4 : i32
    %eq3A_688 = arith.constant 0 : i32
    %eq3A_689 = arith.cmpi eq, %jit3A_687, %eq3A_688 : i32
    %jit3A_690 = arith.constant 1 : i32
    %select_n3A_691 = arith.select %eq3A_689, %jit3A_690, %jit3A_687 : i32
    %rem3A_692 = vector.broadcast %select_n3A_691 : i32 to vector<20x84xi32>
    %rem3A_693 = arith.remsi %iota3A_587, %rem3A_692 : vector<20x84xi32>
    %ne3A_694 = arith.constant 0 : i32
    %ne3A_695 = vector.broadcast %ne3A_694 : i32 to vector<20x84xi32>
    %ne3A_696 = arith.cmpi ne, %rem3A_693, %ne3A_695 : vector<20x84xi32>
    %lt3A_697 = arith.constant 0 : i32
    %lt3A_698 = vector.broadcast %lt3A_697 : i32 to vector<20x84xi32>
    %lt3A_699 = arith.cmpi slt, %rem3A_693, %lt3A_698 : vector<20x84xi32>
    %lt3A_700 = arith.constant 0 : i32
    %lt3A_701 = arith.cmpi slt, %select_n3A_691, %lt3A_700 : i32
    %ne3A_702 = vector.broadcast %lt3A_701 : i1 to vector<20x84xi1>
    %ne3A_703 = vector.broadcast %ne3A_702 : vector<20x84xi1> to vector<20x84xi1>
    %ne3A_704 = arith.xori %lt3A_699, %ne3A_703 : vector<20x84xi1>
    %and3A_705 = arith.andi %ne3A_704, %ne3A_696 : vector<20x84xi1>
    %add3A_706 = vector.broadcast %select_n3A_691 : i32 to vector<20x84xi32>
    %add3A_707 = arith.addi %rem3A_693, %add3A_706 : vector<20x84xi32>
    %select_n3A_708 = arith.select %and3A_705, %add3A_707, %rem3A_693 : vector<20x84xi1>, vector<20x84xi32>
    %eq3A_709 = arith.constant 1 : i32
    %eq3A_710 = vector.broadcast %eq3A_709 : i32 to vector<20x84xi32>
    %eq3A_711 = arith.cmpi eq, %select_n3A_708, %eq3A_710 : vector<20x84xi32>
    %and3A_712 = arith.andi %eq3A_686, %eq3A_711 : vector<20x84xi1>
    %jit3A_713 = arith.constant 0.000000e+00 : f32
    %broadcast_in_dim3A_714 = vector.broadcast %jit3A_713 : f32 to vector<20x84xf32>
    %select_n3A_715 = arith.select %and3A_712, %slice3A_545, %broadcast_in_dim3A_714 : vector<20x84xi1>, vector<20x84xf32>
    %reduce_sum3A_716 = arith.constant dense<0.000000e+00> : vector<20xf32>
    %reduce_sum3A_717 = vector.multi_reduction <add>, %select_n3A_715, %reduce_sum3A_716 [1] : vector<20x84xf32> to vector<20xf32>
    %get3A_718 = arith.constant 0 : index
    %get3A_719 = arith.constant 0 : index
    %get3A_720 = arith.constant 1 : index
    %get3A_721 = vector.load %arg7[%get3A_718, %get3A_719, %get3A_720] : memref<1x20x4xf32, #tpu.memory_space<vmem>>, vector<1x20x1xf32>
    %get3A_722 = vector.shape_cast %get3A_721 : vector<1x20x1xf32> to vector<20xf32>
    %sub3A_723 = arith.subf %reduce_sum3A_717, %get3A_722 : vector<20xf32>
    %abs3A_724 = math.absf %sub3A_723 : vector<20xf32>
    %lt3A_725 = arith.constant 0.111111112 : f32
    %lt3A_726 = vector.broadcast %lt3A_725 : f32 to vector<20xf32>
    %lt3A_727 = arith.cmpf olt, %abs3A_724, %lt3A_726 : vector<20xf32>
    %mul3A_728 = arith.constant 5.000000e-01 : f32
    %mul3A_729 = vector.broadcast %mul3A_728 : f32 to vector<20xf32>
    %mul3A_730 = arith.mulf %mul3A_729, %sub3A_723 : vector<20xf32>
    %mul3A_731 = arith.mulf %mul3A_730, %sub3A_723 : vector<20xf32>
    %div3A_732 = arith.constant 0.111111112 : f32
    %div3A_733 = vector.broadcast %div3A_732 : f32 to vector<20xf32>
    %div3A_734 = arith.divf %mul3A_731, %div3A_733 : vector<20xf32>
    %sub3A_735 = arith.constant 0.055555556 : f32
    %sub3A_736 = vector.broadcast %sub3A_735 : f32 to vector<20xf32>
    %sub3A_737 = arith.subf %abs3A_724, %sub3A_736 : vector<20xf32>
    %select_n3A_738 = arith.select %lt3A_727, %div3A_734, %sub3A_737 : vector<20xi1>, vector<20xf32>
    %mul3A_739 = arith.mulf %select_n3A_738, %convert_element_type3A_622 : vector<20xf32>
    %reduce_sum3A_740 = vector.shape_cast %mul3A_739 : vector<20xf32> to vector<1x20xf32>
    %reduce_sum3A_741 = arith.constant dense<0.000000e+00> : vector<1xf32>
    %reduce_sum3A_742 = vector.multi_reduction <add>, %reduce_sum3A_740, %reduce_sum3A_741 [1] : vector<1x20xf32> to vector<1xf32>
    %reduce_sum3A_743 = vector.shape_cast %reduce_sum3A_742 : vector<1xf32> to vector<1x1xf32>
    %reduce_sum3A_744 = vector.extract %reduce_sum3A_743[0, 0] : f32 from vector<1x1xf32>
    %add3A_745 = arith.addf %add3A_683, %reduce_sum3A_744 : f32
    %broadcast_in_dim3A_746 = vector.shape_cast %get3A_562 : vector<20xi32> to vector<20x1xi32>
    %eq3A_747 = vector.broadcast %broadcast_in_dim3A_746 : vector<20x1xi32> to vector<20x84xi32>
    %eq3A_748 = arith.cmpi eq, %select_n3A_618, %eq3A_747 : vector<20x84xi32>
    %jit3A_749 = arith.constant 4 : i32
    %eq3A_750 = arith.constant 0 : i32
    %eq3A_751 = arith.cmpi eq, %jit3A_749, %eq3A_750 : i32
    %jit3A_752 = arith.constant 1 : i32
    %select_n3A_753 = arith.select %eq3A_751, %jit3A_752, %jit3A_749 : i32
    %rem3A_754 = vector.broadcast %select_n3A_753 : i32 to vector<20x84xi32>
    %rem3A_755 = arith.remsi %iota3A_587, %rem3A_754 : vector<20x84xi32>
    %ne3A_756 = arith.constant 0 : i32
    %ne3A_757 = vector.broadcast %ne3A_756 : i32 to vector<20x84xi32>
    %ne3A_758 = arith.cmpi ne, %rem3A_755, %ne3A_757 : vector<20x84xi32>
    %lt3A_759 = arith.constant 0 : i32
    %lt3A_760 = vector.broadcast %lt3A_759 : i32 to vector<20x84xi32>
    %lt3A_761 = arith.cmpi slt, %rem3A_755, %lt3A_760 : vector<20x84xi32>
    %lt3A_762 = arith.constant 0 : i32
    %lt3A_763 = arith.cmpi slt, %select_n3A_753, %lt3A_762 : i32
    %ne3A_764 = vector.broadcast %lt3A_763 : i1 to vector<20x84xi1>
    %ne3A_765 = vector.broadcast %ne3A_764 : vector<20x84xi1> to vector<20x84xi1>
    %ne3A_766 = arith.xori %lt3A_761, %ne3A_765 : vector<20x84xi1>
    %and3A_767 = arith.andi %ne3A_766, %ne3A_758 : vector<20x84xi1>
    %add3A_768 = vector.broadcast %select_n3A_753 : i32 to vector<20x84xi32>
    %add3A_769 = arith.addi %rem3A_755, %add3A_768 : vector<20x84xi32>
    %select_n3A_770 = arith.select %and3A_767, %add3A_769, %rem3A_755 : vector<20x84xi1>, vector<20x84xi32>
    %eq3A_771 = arith.constant 2 : i32
    %eq3A_772 = vector.broadcast %eq3A_771 : i32 to vector<20x84xi32>
    %eq3A_773 = arith.cmpi eq, %select_n3A_770, %eq3A_772 : vector<20x84xi32>
    %and3A_774 = arith.andi %eq3A_748, %eq3A_773 : vector<20x84xi1>
    %jit3A_775 = arith.constant 0.000000e+00 : f32
    %broadcast_in_dim3A_776 = vector.broadcast %jit3A_775 : f32 to vector<20x84xf32>
    %select_n3A_777 = arith.select %and3A_774, %slice3A_545, %broadcast_in_dim3A_776 : vector<20x84xi1>, vector<20x84xf32>
    %reduce_sum3A_778 = arith.constant dense<0.000000e+00> : vector<20xf32>
    %reduce_sum3A_779 = vector.multi_reduction <add>, %select_n3A_777, %reduce_sum3A_778 [1] : vector<20x84xf32> to vector<20xf32>
    %get3A_780 = arith.constant 0 : index
    %get3A_781 = arith.constant 0 : index
    %get3A_782 = arith.constant 2 : index
    %get3A_783 = vector.load %arg7[%get3A_780, %get3A_781, %get3A_782] : memref<1x20x4xf32, #tpu.memory_space<vmem>>, vector<1x20x1xf32>
    %get3A_784 = vector.shape_cast %get3A_783 : vector<1x20x1xf32> to vector<20xf32>
    %sub3A_785 = arith.subf %reduce_sum3A_779, %get3A_784 : vector<20xf32>
    %abs3A_786 = math.absf %sub3A_785 : vector<20xf32>
    %lt3A_787 = arith.constant 0.111111112 : f32
    %lt3A_788 = vector.broadcast %lt3A_787 : f32 to vector<20xf32>
    %lt3A_789 = arith.cmpf olt, %abs3A_786, %lt3A_788 : vector<20xf32>
    %mul3A_790 = arith.constant 5.000000e-01 : f32
    %mul3A_791 = vector.broadcast %mul3A_790 : f32 to vector<20xf32>
    %mul3A_792 = arith.mulf %mul3A_791, %sub3A_785 : vector<20xf32>
    %mul3A_793 = arith.mulf %mul3A_792, %sub3A_785 : vector<20xf32>
    %div3A_794 = arith.constant 0.111111112 : f32
    %div3A_795 = vector.broadcast %div3A_794 : f32 to vector<20xf32>
    %div3A_796 = arith.divf %mul3A_793, %div3A_795 : vector<20xf32>
    %sub3A_797 = arith.constant 0.055555556 : f32
    %sub3A_798 = vector.broadcast %sub3A_797 : f32 to vector<20xf32>
    %sub3A_799 = arith.subf %abs3A_786, %sub3A_798 : vector<20xf32>
    %select_n3A_800 = arith.select %lt3A_789, %div3A_796, %sub3A_799 : vector<20xi1>, vector<20xf32>
    %mul3A_801 = arith.mulf %select_n3A_800, %convert_element_type3A_622 : vector<20xf32>
    %reduce_sum3A_802 = vector.shape_cast %mul3A_801 : vector<20xf32> to vector<1x20xf32>
    %reduce_sum3A_803 = arith.constant dense<0.000000e+00> : vector<1xf32>
    %reduce_sum3A_804 = vector.multi_reduction <add>, %reduce_sum3A_802, %reduce_sum3A_803 [1] : vector<1x20xf32> to vector<1xf32>
    %reduce_sum3A_805 = vector.shape_cast %reduce_sum3A_804 : vector<1xf32> to vector<1x1xf32>
    %reduce_sum3A_806 = vector.extract %reduce_sum3A_805[0, 0] : f32 from vector<1x1xf32>
    %add3A_807 = arith.addf %add3A_745, %reduce_sum3A_806 : f32
    %broadcast_in_dim3A_808 = vector.shape_cast %get3A_562 : vector<20xi32> to vector<20x1xi32>
    %eq3A_809 = vector.broadcast %broadcast_in_dim3A_808 : vector<20x1xi32> to vector<20x84xi32>
    %eq3A_810 = arith.cmpi eq, %select_n3A_618, %eq3A_809 : vector<20x84xi32>
    %jit3A_811 = arith.constant 4 : i32
    %eq3A_812 = arith.constant 0 : i32
    %eq3A_813 = arith.cmpi eq, %jit3A_811, %eq3A_812 : i32
    %jit3A_814 = arith.constant 1 : i32
    %select_n3A_815 = arith.select %eq3A_813, %jit3A_814, %jit3A_811 : i32
    %rem3A_816 = vector.broadcast %select_n3A_815 : i32 to vector<20x84xi32>
    %rem3A_817 = arith.remsi %iota3A_587, %rem3A_816 : vector<20x84xi32>
    %ne3A_818 = arith.constant 0 : i32
    %ne3A_819 = vector.broadcast %ne3A_818 : i32 to vector<20x84xi32>
    %ne3A_820 = arith.cmpi ne, %rem3A_817, %ne3A_819 : vector<20x84xi32>
    %lt3A_821 = arith.constant 0 : i32
    %lt3A_822 = vector.broadcast %lt3A_821 : i32 to vector<20x84xi32>
    %lt3A_823 = arith.cmpi slt, %rem3A_817, %lt3A_822 : vector<20x84xi32>
    %lt3A_824 = arith.constant 0 : i32
    %lt3A_825 = arith.cmpi slt, %select_n3A_815, %lt3A_824 : i32
    %ne3A_826 = vector.broadcast %lt3A_825 : i1 to vector<20x84xi1>
    %ne3A_827 = vector.broadcast %ne3A_826 : vector<20x84xi1> to vector<20x84xi1>
    %ne3A_828 = arith.xori %lt3A_823, %ne3A_827 : vector<20x84xi1>
    %and3A_829 = arith.andi %ne3A_828, %ne3A_820 : vector<20x84xi1>
    %add3A_830 = vector.broadcast %select_n3A_815 : i32 to vector<20x84xi32>
    %add3A_831 = arith.addi %rem3A_817, %add3A_830 : vector<20x84xi32>
    %select_n3A_832 = arith.select %and3A_829, %add3A_831, %rem3A_817 : vector<20x84xi1>, vector<20x84xi32>
    %eq3A_833 = arith.constant 3 : i32
    %eq3A_834 = vector.broadcast %eq3A_833 : i32 to vector<20x84xi32>
    %eq3A_835 = arith.cmpi eq, %select_n3A_832, %eq3A_834 : vector<20x84xi32>
    %and3A_836 = arith.andi %eq3A_810, %eq3A_835 : vector<20x84xi1>
    %jit3A_837 = arith.constant 0.000000e+00 : f32
    %broadcast_in_dim3A_838 = vector.broadcast %jit3A_837 : f32 to vector<20x84xf32>
    %select_n3A_839 = arith.select %and3A_836, %slice3A_545, %broadcast_in_dim3A_838 : vector<20x84xi1>, vector<20x84xf32>
    %reduce_sum3A_840 = arith.constant dense<0.000000e+00> : vector<20xf32>
    %reduce_sum3A_841 = vector.multi_reduction <add>, %select_n3A_839, %reduce_sum3A_840 [1] : vector<20x84xf32> to vector<20xf32>
    %get3A_842 = arith.constant 0 : index
    %get3A_843 = arith.constant 0 : index
    %get3A_844 = arith.constant 3 : index
    %get3A_845 = vector.load %arg7[%get3A_842, %get3A_843, %get3A_844] : memref<1x20x4xf32, #tpu.memory_space<vmem>>, vector<1x20x1xf32>
    %get3A_846 = vector.shape_cast %get3A_845 : vector<1x20x1xf32> to vector<20xf32>
    %sub3A_847 = arith.subf %reduce_sum3A_841, %get3A_846 : vector<20xf32>
    %abs3A_848 = math.absf %sub3A_847 : vector<20xf32>
    %lt3A_849 = arith.constant 0.111111112 : f32
    %lt3A_850 = vector.broadcast %lt3A_849 : f32 to vector<20xf32>
    %lt3A_851 = arith.cmpf olt, %abs3A_848, %lt3A_850 : vector<20xf32>
    %mul3A_852 = arith.constant 5.000000e-01 : f32
    %mul3A_853 = vector.broadcast %mul3A_852 : f32 to vector<20xf32>
    %mul3A_854 = arith.mulf %mul3A_853, %sub3A_847 : vector<20xf32>
    %mul3A_855 = arith.mulf %mul3A_854, %sub3A_847 : vector<20xf32>
    %div3A_856 = arith.constant 0.111111112 : f32
    %div3A_857 = vector.broadcast %div3A_856 : f32 to vector<20xf32>
    %div3A_858 = arith.divf %mul3A_855, %div3A_857 : vector<20xf32>
    %sub3A_859 = arith.constant 0.055555556 : f32
    %sub3A_860 = vector.broadcast %sub3A_859 : f32 to vector<20xf32>
    %sub3A_861 = arith.subf %abs3A_848, %sub3A_860 : vector<20xf32>
    %select_n3A_862 = arith.select %lt3A_851, %div3A_858, %sub3A_861 : vector<20xi1>, vector<20xf32>
    %mul3A_863 = arith.mulf %select_n3A_862, %convert_element_type3A_622 : vector<20xf32>
    %reduce_sum3A_864 = vector.shape_cast %mul3A_863 : vector<20xf32> to vector<1x20xf32>
    %reduce_sum3A_865 = arith.constant dense<0.000000e+00> : vector<1xf32>
    %reduce_sum3A_866 = vector.multi_reduction <add>, %reduce_sum3A_864, %reduce_sum3A_865 [1] : vector<1x20xf32> to vector<1xf32>
    %reduce_sum3A_867 = vector.shape_cast %reduce_sum3A_866 : vector<1xf32> to vector<1x1xf32>
    %reduce_sum3A_868 = vector.extract %reduce_sum3A_867[0, 0] : f32 from vector<1x1xf32>
    %add3A_869 = arith.addf %add3A_807, %reduce_sum3A_868 : f32
    %reshape3A_870 = vector.broadcast %add3A_869 : f32 to vector<1x1xf32>
    %eq3A_871 = arith.constant 0 : i32
    %eq3A_872 = arith.cmpi eq, %arg0, %eq3A_871 : i32
    %convert_element_type3A_873 = arith.extui %eq3A_872 : i1 to i32
    %cond3A = arith.constant 0 : i32
    %cond3A_874 = arith.cmpi ne, %convert_element_type3A_873, %cond3A : i32
    scf.if %cond3A_874 {
      %swap3A_880 = arith.constant 0 : index
      %swap3A_881 = arith.constant 0 : index
      %swap3A_882 = vector.load %arg11[%swap3A_880, %swap3A_881] : memref<1x1xf32, #tpu.memory_space<vmem>>, vector<1x1xf32>
      tpu.vector_store %arg11[%swap3A_880, %swap3A_881], %reshape3A_586 {strides = array<i32>} : memref<1x1xf32, #tpu.memory_space<vmem>>, vector<1x1xf32>,
      %swap3A_883 = arith.constant 0 : index
      %swap3A_884 = arith.constant 0 : index
      %swap3A_885 = vector.load %arg12[%swap3A_883, %swap3A_884] : memref<1x1xf32, #tpu.memory_space<vmem>>, vector<1x1xf32>
      tpu.vector_store %arg12[%swap3A_883, %swap3A_884], %reshape3A_870 {strides = array<i32>} : memref<1x1xf32, #tpu.memory_space<vmem>>, vector<1x1xf32>,
    } else {
    }
    %ne3A_875 = arith.constant 0 : i32
    %ne3A_876 = arith.cmpi ne, %arg0, %ne3A_875 : i32
    %convert_element_type3A_877 = arith.extui %ne3A_876 : i1 to i32
    %cond3A_878 = arith.constant 0 : i32
    %cond3A_879 = arith.cmpi ne, %convert_element_type3A_877, %cond3A_878 : i32
    scf.if %cond3A_879 {
      %get3A_880 = arith.constant 0 : index
      %get3A_881 = arith.constant 0 : index
      %get3A_882 = vector.load %arg11[%get3A_880, %get3A_881] : memref<1x1xf32, #tpu.memory_space<vmem>>, vector<1x1xf32>
      %add3A_883 = arith.addf %get3A_882, %reshape3A_586 : vector<1x1xf32>
      %swap3A_884 = arith.constant 0 : index
      %swap3A_885 = arith.constant 0 : index
      %swap3A_886 = vector.load %arg11[%swap3A_884, %swap3A_885] : memref<1x1xf32, #tpu.memory_space<vmem>>, vector<1x1xf32>
      tpu.vector_store %arg11[%swap3A_884, %swap3A_885], %add3A_883 {strides = array<i32>} : memref<1x1xf32, #tpu.memory_space<vmem>>, vector<1x1xf32>,
      %get3A_887 = arith.constant 0 : index
      %get3A_888 = arith.constant 0 : index
      %get3A_889 = vector.load %arg12[%get3A_887, %get3A_888] : memref<1x1xf32, #tpu.memory_space<vmem>>, vector<1x1xf32>
      %add3A_890 = arith.addf %get3A_889, %reshape3A_870 : vector<1x1xf32>
      %swap3A_891 = arith.constant 0 : index
      %swap3A_892 = arith.constant 0 : index
      %swap3A_893 = vector.load %arg12[%swap3A_891, %swap3A_892] : memref<1x1xf32, #tpu.memory_space<vmem>>, vector<1x1xf32>
      tpu.vector_store %arg12[%swap3A_891, %swap3A_892], %add3A_890 {strides = array<i32>} : memref<1x1xf32, #tpu.memory_space<vmem>>, vector<1x1xf32>,
    } else {
    }
    return
  }
  func.func @transform_0(%arg0: i32) -> (i32, i32, i32) {
    %c0_i32 = arith.constant 0 : i32
    %c0_i32_0 = arith.constant 0 : i32
    %c0_i32_1 = arith.constant 0 : i32
    return %arg0, %c0_i32, %c0_i32_0 : i32, i32, i32
  }
  func.func @transform_1(%arg0: i32) -> (i32, i32) {
    %c0_i32 = arith.constant 0 : i32
    %c0_i32_0 = arith.constant 0 : i32
    %c0_i32_1 = arith.constant 0 : i32
    return %c0_i32, %c0_i32_0 : i32, i32
  }
  func.func @transform_2(%arg0: i32) -> (i32, i32) {
    %c0_i32 = arith.constant 0 : i32
    %c0_i32_0 = arith.constant 0 : i32
    %c0_i32_1 = arith.constant 0 : i32
    return %c0_i32, %c0_i32_0 : i32, i32
  }
  func.func @transform_3(%arg0: i32) -> (i32, i32) {
    %c0_i32 = arith.constant 0 : i32
    %c0_i32_0 = arith.constant 0 : i32
    %c0_i32_1 = arith.constant 0 : i32
    return %c0_i32, %c0_i32_0 : i32, i32
  }
  func.func @transform_4(%arg0: i32) -> (i32, i32) {
    %c0_i32 = arith.constant 0 : i32
    %c0_i32_0 = arith.constant 0 : i32
    %c0_i32_1 = arith.constant 0 : i32
    return %c0_i32, %c0_i32_0 : i32, i32
  }
  func.func @transform_5(%arg0: i32) -> (i32, i32, i32) {
    %c0_i32 = arith.constant 0 : i32
    %c0_i32_0 = arith.constant 0 : i32
    %c0_i32_1 = arith.constant 0 : i32
    return %arg0, %c0_i32, %c0_i32_0 : i32, i32, i32
  }
  func.func @transform_6(%arg0: i32) -> (i32, i32, i32) {
    %c0_i32 = arith.constant 0 : i32
    %c0_i32_0 = arith.constant 0 : i32
    %c0_i32_1 = arith.constant 0 : i32
    return %arg0, %c0_i32, %c0_i32_0 : i32, i32, i32
  }
  func.func @transform_7(%arg0: i32) -> (i32, i32, i32) {
    %c0_i32 = arith.constant 0 : i32
    %c0_i32_0 = arith.constant 0 : i32
    %c0_i32_1 = arith.constant 0 : i32
    return %arg0, %c0_i32, %c0_i32_0 : i32, i32, i32
  }
  func.func @transform_8(%arg0: i32) -> (i32, i32, i32) {
    %c0_i32 = arith.constant 0 : i32
    %c0_i32_0 = arith.constant 0 : i32
    %c0_i32_1 = arith.constant 0 : i32
    return %arg0, %c0_i32, %c0_i32_0 : i32, i32, i32
  }
  func.func @transform_9(%arg0: i32) -> (i32, i32, i32) {
    %c0_i32 = arith.constant 0 : i32
    %c0_i32_0 = arith.constant 0 : i32
    %c0_i32_1 = arith.constant 0 : i32
    return %arg0, %c0_i32, %c0_i32_0 : i32, i32, i32
  }
  func.func @transform_10(%arg0: i32) -> (i32, i32) {
    %c0_i32 = arith.constant 0 : i32
    %c0_i32_0 = arith.constant 0 : i32
    %c0_i32_1 = arith.constant 0 : i32
    return %c0_i32, %c0_i32_0 : i32, i32
  }
  func.func @transform_11(%arg0: i32) -> (i32, i32) {
    %c0_i32 = arith.constant 0 : i32
    %c0_i32_0 = arith.constant 0 : i32
    %c0_i32_1 = arith.constant 0 : i32
    return %c0_i32, %c0_i32_0 : i32, i32
  }
}

</mosaic_0001>

<sc_bundles>
// kernel: sparse-core-data-format-call.cloned.1.call-start
scs
called_computation_lowered:
.L_overlay_start_0:
0x0: {  	s2 =	sld [smem:$0x3FD9]  }
0x1: {  	s3 =	sld [smem:$0x3FFE];
	_ =	sdelay $0x1  }
0x2: {  	s1 =	srdreg.scid  }
0x3: {  	s0 =	sand.u32 $0x1, s1  }
0x4: {  	s15 =	sshll.u32 s0, $0xA;
	s2 =	sadd.s32 s3, s2  }
0x5: {  	s2 =	sadd.s32 s2, s15  }
0x6: {  	[smem:$0x3FBD] =	sst s2  }
0x7: {  	_ = 	snop  }
0x8: {  	s2 =	sld [smem:$0x3FD0];
	_ =	sdelay $0x2  }
0x9: {  	s16 =	simm.s32 $0xA;
	s4 =	simm.s32 $0x10  }
0xa: {  	[smem:s4], [sflag:s16] =	dma.local [hbm:s2], $0x1  }
0xb: {  	_ =	swait.eq [sflag:s16], $0x1  }
0xc: {  	[sflag:s16] =	ssyncset.done $0x0  }
0xd: {  	[sflag:s16] =	ssyncadd.s32 $0xFFFFFFFF  }
0xe: {  	s17 =	sld [smem:$0x10];
	(tm) =	ssettm $0x1  }
0xf: {  	s18 =	sld [smem:$0x3FFB];
	_ =	sdelay $0x3  }
0x10: {  	_ =	strace s18  }
0x11: {  	s3 =	sld [smem:$0x3FFC];
	_ =	sdelay $0x3  }
0x12: {  	_ =	strace s3  }
0x13: {  	s3 =	sld [smem:$0x3FFD];
	_ =	sdelay $0x3  }
0x14: {  	_ =	strace s3  }
0x15: {  	_ =	strace $0x8FFFFFFF  }
0x16: {  	s19 =	sld [smem:$0x3FDB];
	_ =	sdelay $0x1  }
0x17: {  	s20 =	simm.s32 $_scs_section_size  }
0x18: {  	s5 =	simm.s32 $_size__tile_overlayer_lowered;
	s6 =	simm.s32 $_tile_overlayer_lowered  }
0x19: {  	s23 =	simm.s32 $0x1BFF;
	s22 =	sshll.u32 s6, $0x1;
	s3 =	sadd.s32 s20, s19  }
0x1a: {  	s7 =	simm.s32 $0x0;
	s21 =	sshll.u32 s5, $0x1;
	s5 =	sadd.s32 s22, s3  }
0x1b: {  	[timem:s7], [sflag:s23] =	dma.local [hbm:s5], s21  }
0x1c: {  	_ =	swait.ge [sflag:s23], s21  }
0x1d: {  	s4 =	ssub.s32 $0x0, s21;
	[sflag:s23] =	ssyncset.done $0x0  }
0x1e: {  	[sflag:s23] =	ssyncadd.s32 s4;
	_ =	sdelay $0x1  }
0x1f: {  	s24 =	simm.s32 $0x1B8B  }
0x20: {  	_ =	swait.ge [sflag:s24], $0x1  }
0x21: {  	[sflag:s24] =	ssyncset.done $0x0  }
0x22: {  	s26 =	simm.s32 $0x1B8E;
	s25 =	sld [smem:$0x3FFE];
	[sflag:s24] =	ssyncadd.s32 $0xFFFFFFFF  }
0x23: {  	s27 =	simm.s32 $execute0_lowered;
	[smem:$0x3FD2] =	sst s26  }
0x24: {  	s5 =	sshll.u32 s27, $0x1;
	_ =	strace $0x80000046;
	[dreg:$0x1] =	wrdreg $0xFFFFFFFF  }
0x25: {  	s28 =	simm.s32 $_size_execute0_lowered;
	s3 =	sadd.s32 s3, s5;
	[dreg:$0x0] =	wrdreg $0x0  }
0x26: {  	s5 =	sshll.u32 s28, $0x1;
	[dreg:$0x2] =	wrdreg s3  }
0x27: {  	[dreg:$0x3] =	wrdreg s5  }
0x28: {  	[dreg:$0x4] =	wrdreg $0xC0  }
0x29: {  	_ =	task [dreg:s7], $0x5FFFF  }
0x2a: {  	[dreg:$0x1] =	wrdreg $0xFFFFFFFF  }
0x2b: {  	[dreg:$0x0] =	wrdreg $0x60  }
0x2c: {  	[dreg:$0x2] =	wrdreg s25  }
0x2d: {  	[dreg:$0x3] =	wrdreg s17  }
0x2e: {  	[dreg:$0x4] =	wrdreg $0x9  }
0x2f: {  	_ =	task.clear_ibuf [dreg:s7], $0x5FFFF;
	_ =	strace $0x90000046  }
0x30: {  	s29 =	simm.s32 $0x9;
	_ =	strace $0x80000048  }
0x31: {  	_ =	swait.ge [sflag:s29], $0x1  }
0x32: {  	[sflag:s29] =	ssyncadd.s32 $0xFFFFFFFF  }
0x33: {  	_ =	strace $0x90000048  }
0x34: {  	_ =	sfence  }
0x35: {  	s30 =	sld [smem:$0x0];
	_ =	sdelay $0x2  }
0x36: {  	s31 =	sshll.u32 s1, $0xD;
	s1 =	sshrl.u32 s1, $0x2  }
0x37: {  	s3 =	sand.u32 $0x4000, s31;
	s1 =	sadd.s32 s1, s30  }
0x38: {  	s0 =	sor.u32 s3, s0;
	s1 =	sshll.u32 s1, $0x11  }
0x39: {  	s0 =	sor.u32 s1, s0  }
0x3a: {  	s0 =	sadd.s32 $0x8F2B, s0  }
0x3b: {  	[sflag:s0] =	ssyncadd.remote.s32 $0x1  }
0x3c: {  	_ =	sfence.sel $0xFFFF  }
0x3d: {  	[dreg:$0x0] =	wrdreg $0xFFFFFFFF;
	(pc) =	sbr.abs _section_cstart, $3  }
0x3e: {  	[dreg:$0x1] =	wrdreg $0xFFFFFFFF  }
0x3f: {  	_ =	task.clear_ibuf [dreg:s7], $0x2FFFF;
	_ =	strace $0x9FFFFFFF  }
0x40: {  	(tm) =	ssettm $0x7FFFFFFF  }
0x41: {  	_ =	shalt  }
tec
execute0_lowered:
.L_overlay_start_1:
0x0: {  	(tag) =	ssettag $0x1  }
0x1: {  	s0 =	stileid.u32  }
0x2: {  	s1 =	srdreg.scid;
	s7 =	rddreg [dreg:$0x0]  }
0x3: {  	s5 =	simm.s32 $0x1;
	s6 =	simm.s32 $0x1;
	s8 =	simm.s32 $0x2  }
0x4: {  	s19 =	simm.s32 $0x0;
	s9 =	simm.s32 $0x2000;
	s21 =	simm.s32 $0x0  }
0x5: {  	s22 =	simm.s32 $0x0;
	s20 =	simm.s32 $0x0;
	s10 =	simm.s32 $0x0  }
0x6: {  	s11 =	simm.s32 $0x0;
	s1 =	sshll.u32 s1, $0x4;
	s2 =	sshll.u32 s0, $0x7  }
0x7: {  	s12 =	simm.s32 $0x0;
	s3 =	sand.u32 $0x10, s1;
	s1 =	sand.u32 $0x380, s2  }
0x8: {  	s13 =	simm.s32 $0x0;
	s14 =	simm.s32 $0x0;
	s31 =	ssub.s32 $0x400, s1  }
0x9: {  	s15 =	simm.s32 $0x0;
	s30 =	sor.u32 s0, s3;
	s4 =	sand.u32 $0x380, s31  }
0xa: {  	s18 =	simm.s32 $0x0;
	s2 =	sshrl.u32 s30, $0x3;
	p0 =	sne.s32 s4, $0x0  }
0xb: {  	s3 =	sshrl.u32 s31, $0xA;
	s5 =	simm.s32 @!p0 $0x0;
	p0 =	sne.s32 s2, $0x3  }
.Ltmp0:
0xc: {  	s5 =	sadd.s32 s5, s3;
	s6 =	simm.s32 @!p0 $0x0;
	(pc) =	sbr.rel .LBB1_1-.Ltmp0, $4  }
0xd: {  	s7 =	sadd.s32 $0x2000, s7;
	s4 =	rddreg [dreg:$0x1];
	s6 =	sshll.u32 s5, s6  }
0xe: {  	_ =	strace $0x80000047;
	s5 =	simm.s32 $0x1;
	s6 =	smul.u32 $0x118, s6  }
0xf: {  	s17 =	smov.u32 s1;
	s16 =	smov.u32 s2;
	[sflag:s5] =	ssyncpa.u1 $0x0  }
0x10: {  	p0 =	por $0x0, $0x0;
	[sflag:s8] =	ssyncpa.u1 $0x0;
	s8 =	sor.u32 $0x1, s6  }
.LBB1_4:
0x11: {  	s27 =	sshra.s32 s27, $0x2;
	s28 =	sshll.u32 s10, $0xA  }
0x12: {  	p1 =	sgt.s32 s12, $0x6;
	s29 =	smov.u32 s12;
	s30 =	sshra.s32 s12, $0x1F  }
0x13: {  	s31 =	sshll.u32 s13, $0x3;
	p2 =	sgt.s32 s11, $0x6;
	s3 =	sshra.s32 s11, $0x1F  }
0x14: {  	s29 =	simm.s32 @!p1 $0x6;
	s30 =	sand.u32 s30, s12;
	s28 =	sand.u32 $0xFFFFE000, s28  }
0x15: {  	s31 =	sand.u32 $0xFFFFFC00, s31;
	s26 =	sadd.s32 s27, s26;
	s29 =	ssub.s32 s29, s30  }
0x16: {  	s31 =	sadd.s32 s31, s28;
	s28 =	smov.u32 s11;
	s30 =	sand.u32 s3, s11  }
0x17: {  	s3 =	sshra.s32 s13, $0x1F;
	s0 =	sadd.s32 $0xFFFFFFFA, s29;
	s27 =	sshrl.u32 s31, $0xA  }
0x18: {  	s29 =	ssub.s32 $0x7, s29;
	s28 =	simm.s32 @!p2 $0x6;
	p2 =	sgt.s32 s13, $0x380  }
0x19: {  	s31 =	smov.u32 s13;
	s3 =	sand.u32 s3, s13;
	p1 =	sgt.s32 s0, $0x0  }
0x1a: {  	s28 =	ssub.s32 s28, s30;
	s31 =	simm.s32 @!p2 $0x380;
	p2 =	sgt.s32 s10, $0x1308  }
0x1b: {  	s0 =	sshra.s32 s10, $0x1F;
	s29 =	simm.s32 @p1 $0x0;
	s30 =	sadd.s32 $0xFFFFFFFA, s28  }
0x1c: {  	v5 =	vld [tilespmem:s24+$0xFFFFFFD0];
	[tilespmem:s25+$0x2040 ss:$0x81] =	vst.msk $0xffff, v4;
	s3 =	ssub.s32 s31, s3;
	s28 =	ssub.s32 $0x7, s28;
	p1 =	sgt.s32 s30, $0x0  }
0x1d: {  	v59 =	vld [tilespmem:s24+$0xFFFFFFE0];
	[tilespmem:s25+$0x2850 ss:$0x81] =	vst.msk $0xffff, v3;
	s30 =	smov.u32 s10;
	s31 =	sadd.s32 $0xFFFFFC80, s3;
	s3 =	ssub.s32 $0x400, s3  }
0x1e: {  	v60 =	vld [tilespmem:s24+$0xFFFFFFF0];
	s30 =	simm.s32 @!p2 $0x1308;
	p2 =	sgt.s32 s31, $0x7F;
	s31 =	smulhi.u32 $0x1A36E3, s27  }
0x1f: {  	[tilespmem:s25+$0x3060 ss:$0x81] =	vst.msk $0xffff, v2;
	v61 =	vld [tilespmem:s24+$0x0];
	s0 =	sand.u32 s0, s10;
	s28 =	simm.s32 @p1 $0x0;
	s3 =	simm.s32 @p2 $0x0  }
0x20: {  	[tilespmem:s25+$0x0 ss:$0x81] =	vst.msk $0xffff, v0;
	v62 =	vld [tilespmem:s24+$0x10];
	s0 =	ssub.s32 s30, s0;
	s25 =	sshrl.u32 s31, $0x1;
	s3 =	smul.u32 s3, s29  }
0x21: {  	v63 =	vld [tilespmem:s24+$0x20];
	[tilespmem:s26+$0x3870 ss:$0x81] =	vst.msk $0xffff, v1;
	s30 =	sand.u32 $0x78, s13;
	s31 =	sshll.u32 s10, $0x7;
	s25 =	smul.u32 $0x1388, s25  }
0x22: {  	v6 =	vld [tilespmem:s24+$0xFFFFFFC0];
	[tilespmem:s26+$0x810 ss:$0x81] =	vst.msk $0xffff, v5;
	s29 =	sadd.s32 $0xFFFFECF8, s0;
	s0 =	ssub.s32 $0x1388, s0;
	s3 =	smul.u32 s28, s3  }
0x23: {  	[tilespmem:s26+$0x1020 ss:$0x81] =	vst.msk $0xffff, v59;
	s31 =	sand.u32 $0x380, s31;
	p1 =	sgt.s32 s29, $0x7F;
	s28 =	smul.u32 $0x445C00, s12  }
0x24: {  	[tilespmem:s26+$0x1830 ss:$0x81] =	vst.msk $0xffff, v60;
	s24 =	sor.u32 s30, s31;
	s0 =	simm.s32 @p1 $0x0;
	s31 =	smul.u32 $0x9C400, s11  }
0x25: {  	[tilespmem:s26+$0x2040 ss:$0x81] =	vst.msk $0xffff, v61;
	s30 =	sand.u32 $0x7, s13;
	s25 =	ssub.s32 s27, s25;
	s28 =	sadd.s32 s4, s28  }
0x26: {  	[tilespmem:s26+$0x2850 ss:$0x81] =	vst.msk $0xffff, v62;
	s24 =	sshrl.u32 s24, $0x3;
	s0 =	smul.u32 s0, s3;
	s3 =	sadd.s32 s31, s28  }
0x27: {  	[tilespmem:s26+$0x3060 ss:$0x81] =	vst.msk $0xffff, v63;
	s25 =	sshll.u32 s25, $0x7;
	s31 =	sshll.u32 s30, $0x12;
	s3 =	sadd.s32 s24, s3  }
0x28: {  	[tilespmem:s26+$0x0 ss:$0x81] =	vst.msk $0xffff, v6;
	s0 =	sand.u32 $0x3FFFFFFF, s0;
	s24 =	sor.u32 $0x400, s31;
	s3 =	sadd.s32 s25, s3  }
0x29: {  	[hbm4b:s3+s24] =	stream.strided.scatter [tilespmem:s23], [sflag:$0x2], s0, s9, s24, $0x20;
	[tilespmem:$0x10100] =	vst v63  }
.LBB1_5:
0x2a: {  	p1 =	slt.u32 s18, $0x2;
	s0 =	smov.u32 s22  }
0x2b: {  	s23 =	sadd.s32 $0x80, s14;
	s24 =	smov.u32 s16;
	s25 =	smov.u32 s17  }
0x2c: {  	p0 =	por !p0, !p0;
	p2 =	sgt.s32 @!p1 s22, $0x6;
	s3 =	sshra.s32 @!p1 s22, $0x1F  }
0x2d: {  	p3 =	sgt.s32 @!p1 s20, $0x380;
	p2 =	por !p2, p1;
	s3 =	sand.u32 @!p1 s3, s22  }
0x2e: {  	s22 =	sshra.s32 @!p1 s21, $0x1F;
	s0 =	simm.s32 @p2 $0x6;
	p2 =	sgt.s32 @!p1 s21, $0x6  }
0x2f: {  	p3 =	por !p3, p1;
	s0 =	ssub.s32 @!p1 s0, s3;
	p2 =	por !p2, p1  }
0x30: {  	s3 =	smov.u32 s21;
	s21 =	sand.u32 @!p1 s22, s21;
	s22 =	sadd.s32 @!p1 $0xFFFFFFFA, s0  }
0x31: {  	s3 =	simm.s32 @p2 $0x6;
	s0 =	ssub.s32 @!p1 $0x7, s0;
	p2 =	sgt.s32 @!p1 s22, $0x0  }
0x32: {  	s3 =	ssub.s32 @!p1 s3, s21;
	s22 =	sshra.s32 @!p1 s20, $0x1F;
	p2 =	por !p2, p1  }
0x33: {  	s21 =	sadd.s32 @!p1 $0xFFFFFFFA, s3;
	s3 =	ssub.s32 @!p1 $0x7, s3;
	s0 =	simm.s32 @!p2 $0x0  }
0x34: {  	p2 =	sgt.s32 @!p1 s21, $0x0;
	s21 =	smov.u32 s20;
	s20 =	sand.u32 @!p1 s22, s20  }
0x35: {  	s22 =	sshra.s32 @!p1 s19, $0x1F;
	s21 =	simm.s32 @p3 $0x380;
	p3 =	sgt.s32 @!p1 s19, $0x1308  }
0x36: {  	p2 =	por !p2, p1;
	s20 =	ssub.s32 @!p1 s21, s20;
	p3 =	por !p3, p1  }
0x37: {  	s21 =	smov.u32 s19;
	s19 =	sand.u32 @!p1 s22, s19;
	s22 =	sadd.s32 @!p1 $0xFFFFFC80, s20  }
0x38: {  	s3 =	simm.s32 @!p2 $0x0;
	s21 =	simm.s32 @p3 $0x1308;
	p2 =	sgt.s32 @!p1 s22, $0x7F  }
0x39: {  	s20 =	ssub.s32 @!p1 $0x400, s20;
	s19 =	ssub.s32 @!p1 s21, s19;
	p2 =	por !p2, p1  }
0x3a: {  	s26 =	simm.s32 @!p1 $0x2;
	s21 =	sadd.s32 @!p1 $0xFFFFECF8, s19;
	s20 =	simm.s32 @!p2 $0x0  }
0x3b: {  	p2 =	sgt.s32 s23, $0x1387;
	s0 =	smul.u32 @!p1 s20, s0;
	s20 =	simm.s32 $0x1  }
0x3c: {  	s19 =	ssub.s32 @!p1 $0x1388, s19;
	p3 =	sgt.s32 @!p1 s21, $0x7F;
	s20 =	simm.s32 @!p2 $0x0  }
0x3d: {  	p3 =	por !p3, p1;
	s0 =	smul.u32 @!p1 s3, s0;
	s3 =	sadd.s32 s20, s15  }
0x3e: {  	s19 =	simm.s32 @!p3 $0x0;
	s20 =	sadd.s32 $0x4, s16;
	p3 =	sgt.s32 s3, $0x6  }
0x3f: {  	s22 =	smov.u32 s12;
	s23 =	simm.s32 @p2 $0x0;
	s24 =	smov.u32 @p3 s20  }
0x40: {  	s0 =	smul.u32 @!p1 s19, s0;
	s19 =	sadd.s32 $0x400, s17;
	p2 =	sgt.s32 s24, $0x6  }
0x41: {  	s12 =	smov.u32 s16;
	s21 =	smov.u32 s11;
	s25 =	smov.u32 @p2 s19  }
0x42: {  	s11 =	smov.u32 s15;
	s24 =	smov.u32 @p2 s2;
	p2 =	sgt.s32 s25, $0x3FF  }
0x43: {  	s3 =	simm.s32 @p3 $0x0;
	s25 =	smov.u32 @p2 s1;
	p2 =	sne.s32 s18, s8  }
.Ltmp1:
0x44: {  	s20 =	smov.u32 s13;
	s13 =	smov.u32 s17;
	(pc) =	sbr.rel @!p2 .LBB1_6-.Ltmp1, $4  }
0x45: {  	s15 =	smov.u32 s3;
	s0 =	sand.u32 @!p1 $0x3FFFFFFF, s0;
	s19 =	smov.u32 s10  }
0x46: {  	s10 =	smov.u32 s14;
	s14 =	smov.u32 s23;
	_ =	swait.ge @!p1 [sflag:s26], s0  }
0x47: {  	s0 =	ssub.s32 @!p1 $0x0, s0;
	s16 =	smov.u32 s24;
	[sflag:s26] =	ssyncset.done @!p1 $0x0  }
0x48: {  	s18 =	sadd.s32 $0x1, s18;
	[sflag:s26] =	ssyncadd.s32 @!p1 s0;
	s17 =	smov.u32 s25  }
.LBB1_1:
0x49: {  	p1 =	sge.u32 s18, s6  }
0x4a: {  	s23 =	sshrl.u32 @!p1 s15, $0x3  }
0x4b: {  	s24 =	sshll.u32 @!p1 s14, $0x3;
	s25 =	sshll.u32 @!p1 s15, $0x7;
	s23 =	smul.u32 @!p1 $0xA000, s23  }
0x4c: {  	s26 =	sand.u32 @!p1 $0x7F, s14;
	s24 =	sand.u32 @!p1 $0xFFFFFC00, s24;
	s25 =	sand.u32 @!p1 $0x380, s25  }
0x4d: {  	s23 =	sadd.s32 @!p1 s23, s24;
	s24 =	sor.u32 @!p1 s26, s25  }
0x4e: {  	s24 =	sor.u32 @!p1 s23, s24  }
0x4f: {  	s25 =	smulhi.u32 @!p1 $0xCCCCCCCD, s24  }
0x50: {  	s23 =	smulhi.u32 @!p1 $0xCCCCCCCD, s23  }
0x51: {  	s31 =	sadd.s32 $0xFFFFFFFF, s18;
	s27 =	smul.u32 @!p1 $0x8C00, s17;
	s25 =	sshrl.u32 @!p1 s25, $0xC  }
0x52: {  	s26 =	sxor.u32 @!p1 $0xFFFFFFFF, s18;
	s23 =	sshrl.u32 @!p1 s23, $0xC;
	s25 =	smul.u32 @!p1 $0x1400, s25  }
0x53: {  	s28 =	smul.u32 @!p1 $0x1400, s16;
	s26 =	sshll.u32 @!p1 s26, $0xE;
	s23 =	sand.u32 @!p1 $0x7, s23  }
0x54: {  	s23 =	smul.u32 @!p1 $0x280, s23;
	s24 =	ssub.s32 @!p1 s24, s25;
	s25 =	sadd.s32 @!p1 s7, s27  }
0x55: {  	s26 =	sand.u32 @!p1 $0x4000, s26;
	s25 =	sadd.s32 @!p1 s28, s25;
	s27 =	sand.u32 @!p1 $0x7, s24  }
0x56: {  	s24 =	sshrl.u32 @!p1 s24, $0x3;
	s23 =	sadd.s32 @!p1 s23, s25;
	s25 =	sshll.u32 @!p1 s27, $0x12  }
0x57: {  	s23 =	sadd.s32 @!p1 s24, s23;
	s24 =	sor.u32 @!p1 $0x80, s25;
	s25 =	simm.s32 @!p1 $0x46000  }
0x58: {  	[tilespmem:s26], [sflag:$0x1] =	stream.strided.gather @!p1 [hbm4b:s23+s24], $0x4000, s25, s24, $0x38;
	[tilespmem:$0x10100] =	vst v63  }
0x59: {  	p1 =	sge.u32 s31, s6  }
.Ltmp2:
0x5a: {  	_ = 	snop;
	(pc) =	sbr.rel @p1 .LBB1_5-.Ltmp2, $1  }
0x5b: {  	_ =	sdelay $0x3  }
0x5c: {  	s23 =	simm.s32 $0x1  }
0x5d: {  	_ =	swait.ge [sflag:s5], $0x4000;
	s23 =	simm.s32 @!p0 $0x0  }
0x5e: {  	[sflag:s5] =	ssyncset.done $0x0;
	s24 =	sshll.u32 s23, $0xE  }
0x5f: {  	[sflag:s5] =	ssyncadd.s32 $0xFFFFC000;
	s24 =	sor.u32 $0x40, s24  }
0x60: {  	s23 =	smul.u32 $0x10200, s23;
	v0 =	vld [tilespmem:s24+$0x30]  }
0x61: {  	v1 =	vld [tilespmem:s24+$0xFFFFFFD0]  }
0x62: {  	s23 =	sshrl.u32 s23, $0x2;
	v5 =	vld [tilespmem:s24+$0xFFFFFFE0]  }
0x63: {  	v6 =	vld [tilespmem:s24+$0xFFFFFFF0];
	s26 =	sor.u32 $0x8000, s23  }
0x64: {  	s31 =	sand.u32 $0x1, s18;
	v4 =	vld [tilespmem:s24+$0x0];
	s25 =	sadd.s32 $0x0, s26  }
0x65: {  	v3 =	vld [tilespmem:s24+$0x10];
	s23 =	smul.u32 $0x10200, s31;
	[tilespmem:s25+$0x3870 ss:$0x81] =	vst.msk $0xffff, v0  }
0x66: {  	v2 =	vld [tilespmem:s24+$0x20];
	[tilespmem:s25+$0x810 ss:$0x81] =	vst.msk $0xffff, v1  }
0x67: {  	s23 =	sshrl.u32 s23, $0x2;
	v0 =	vld [tilespmem:s24+$0xFFFFFFC0];
	[tilespmem:s25+$0x1020 ss:$0x81] =	vst.msk $0xffff, v5;
	s24 =	sadd.s32 $0x80, s24  }
0x68: {  	s27 =	simm.s32 $0x4;
	s28 =	simm.s32 $0x8;
	s23 =	sor.u32 $0x8000, s23;
	[tilespmem:s25+$0x1830 ss:$0x81] =	vst.msk $0xffff, v6;
	v1 =	vld [tilespmem:s24+$0x30]  }
.LBB1_3:
0x69: {  	p1 =	sne.s32 s28, $0x1FC;
	v5 =	vld [tilespmem:s24+$0xFFFFFFD0];
	[tilespmem:s25+$0x2040 ss:$0x81] =	vst.msk $0xffff, v4  }
0x6a: {  	v6 =	vld [tilespmem:s24+$0xFFFFFFE0];
	[tilespmem:s25+$0x2850 ss:$0x81] =	vst.msk $0xffff, v3  }
0x6b: {  	s29 =	sshra.s32 s27, $0x2;
	s27 =	smov.u32 s28;
	v7 =	vld [tilespmem:s24+$0xFFFFFFF0];
	[tilespmem:s25+$0x3060 ss:$0x81] =	vst.msk $0xffff, v2  }
.Ltmp3:
0x6c: {  	v4 =	vld [tilespmem:s24+$0x0];
	[tilespmem:s25+$0x0 ss:$0x81] =	vst.msk $0xffff, v0;
	s25 =	sadd.s32 s29, s26;
	(pc) =	sbr.rel @p1 .LBB1_3-.Ltmp3, $4  }
0x6d: {  	v3 =	vld [tilespmem:s24+$0x10];
	[tilespmem:s25+$0x3870 ss:$0x81] =	vst.msk $0xffff, v1  }
0x6e: {  	[tilespmem:s25+$0x810 ss:$0x81] =	vst.msk $0xffff, v5;
	v2 =	vld [tilespmem:s24+$0x20]  }
0x6f: {  	v0 =	vld [tilespmem:s24+$0xFFFFFFC0];
	[tilespmem:s25+$0x1020 ss:$0x81] =	vst.msk $0xffff, v6;
	s24 =	sadd.s32 $0x80, s24  }
0x70: {  	s28 =	sadd.s32 $0x4, s28;
	v1 =	vld [tilespmem:s24+$0x30];
	[tilespmem:s25+$0x1830 ss:$0x81] =	vst.msk $0xffff, v7  }
.Ltmp4:
0x71: {  	_ = 	snop;
	(pc) =	sbr.rel .LBB1_4-.Ltmp4, $1  }
0x72: {  	_ =	sdelay $0x3  }
.LBB1_6:
0x73: {  	_ =	sfence.sel $0x180000  }
0x74: {  	s0 =	simm.s32 $0x1;
	[bflag:$0x0] =	sbarrier.arrive $0xFFFF  }
0x75: {  	s30 =	simm.s32 $0x2;
	[sflag:s0] =	ssyncpa.u1 $0x1  }
0x76: {  	[sflag:s30] =	ssyncpa.u1 $0x1  }
0x77: {  	_ =	strace $0x90000047  }
0x78: {  	s31 =	stileid.u32;
	[bflag:$0x2] =	sbarrier.arrive $0xFFFF  }
0x79: {  	p0 =	sne.s32 s31, $0x0;
	s0 =	rddreg [dreg:$0x2]  }
0x7a: {  	s0 =	sadd.s32 @!p0 $0x100000, s0  }
0x7b: {  	[sflag:s0] =	ssyncadd.tile.s32 @!p0 $0x1;
	_ =	shalt  }
.Lfunc_end1:
_tile_overlayer_lowered:
.L_overlay_start_2:
0x7c: {  	(tag) =	ssettag $0x2  }
0x7d: {  	s0 =	rddreg [dreg:$0x0];
	s2 =	stileid.u32  }
0x7e: {  	s1 =	rddreg [dreg:$0x1];
	p0 =	sne.s32 s2, $0x0  }
0x7f: {  	s3 =	rddreg [dreg:$0x2];
	[bflag:$0x3] =	sbarrier.arrive $0xFFFF;
	s2 =	simm.s32 @!p0 $0x1C01  }
0x80: {  	[timem:s3], [sflag:s2] =	dma.local @!p0 [hbm:s0], s1  }
0x81: {  	s0 =	simm.s32 @!p0 $0x1  }
0x82: {  	_ =	swait.ge @!p0 [sflag:s0], s1  }
0x83: {  	s1 =	ssub.s32 @!p0 $0x0, s1;
	[sflag:s0] =	ssyncset.done @!p0 $0x0  }
0x84: {  	[sflag:s0] =	ssyncadd.s32 @!p0 s1  }
0x85: {  	[bflag:$0x3] =	sbarrier.arrive $0xFFFF  }
0x86: {  	_ =	shalt  }

</sc_bundles>
